<compile_context>
chip_gen: v7x
topology: tpu7x:2x2x1
jax: 0.10.2.dev20260603
libtpu: 0.0.44.dev20260713+nightly
codegen_flags: <defaults>
</compile_context>

<pallas_src>
import jax
import jax.numpy as jnp
import numpy as np
from jax import lax
from jax.experimental import pallas as pl
from jax.experimental.pallas import tpu as pltpu
from jax.experimental.pallas import tpu_sc as plsc

_NUSC_CLASS_FREQ = np.array(
    [944004, 1897170, 152386, 2391677, 16957802, 724139, 189027, 2074468,
     413451, 2384460, 5916653, 175883646, 4275424, 51393615, 61411620,
     105975596, 116424404, 1892500630], dtype=np.float64)
_CLASS_WEIGHTS = (1.0 / np.log(_NUSC_CLASS_FREQ + 0.001)).astype(np.float32)

C = 18
N = 640000
B = 512
NW = 32
VPT = N // NW
CH = 2000
NCHUNK = VPT // CH
NG = CH // 16


def _sc_body(x_hbm, lab_hbm, hists_hbm, a_hbm, s_hbm,
             xbuf, labbuf, abuf, sbuf, hist):
    wid = lax.axis_index("s") * 2 + lax.axis_index("c")
    iota = lax.broadcasted_iota(jnp.int32, (16,), 0)
    iota18 = iota * C
    zeros_i = jnp.zeros((16,), jnp.int32)

    def zero_body(i, carry):
        hist[pl.ds(i * 16, 16)] = zeros_i
        return carry
    lax.fori_loop(0, (C * B) // 16, zero_body, 0)

    def chunk_body(ch, carry):
        off_vox = wid * VPT + ch * CH
        pltpu.sync_copy(x_hbm.at[pl.ds(pl.multiple_of(off_vox * C, 8), CH * C)],
                        xbuf)
        pltpu.sync_copy(lab_hbm.at[pl.ds(pl.multiple_of(off_vox, 8), CH)],
                        labbuf)

        def group_body(g, gcarry):
            base = g * (16 * C)
            lab16 = labbuf[pl.ds(g * 16, 16)]
            xs = [plsc.load_gather(xbuf, [iota18 + (base + c)])
                  for c in range(C)]
            m = xs[0]
            for c in range(1, C):
                m = jnp.maximum(m, xs[c])
            es = [jnp.exp(xc - m) for xc in xs]
            s = es[0]
            for c in range(1, C):
                s = s + es[c]
            rinvb = float(B) / s
            for c in range(C):
                t = es[c] * rinvb
                fg = lab16 == c
                b = jnp.where(fg, float(B) - t, t).astype(jnp.int32)
                b = jnp.minimum(b, B - 1)
                val = jnp.where(fg, 65537, 1)
                plsc.addupdate_scatter(hist, [b + (c * B)], val)
            xlab = plsc.load_gather(xbuf, [iota18 + base + lab16])
            abuf[pl.ds(g * 16, 16)] = xlab - m
            sbuf[pl.ds(g * 16, 16)] = s
            return gcarry
        lax.fori_loop(0, NG, group_body, 0)

        pltpu.sync_copy(abuf, a_hbm.at[pl.ds(pl.multiple_of(off_vox, 8), CH)])
        pltpu.sync_copy(sbuf, s_hbm.at[pl.ds(pl.multiple_of(off_vox, 8), CH)])
        return carry
    lax.fori_loop(0, NCHUNK, chunk_body, 0)

    pltpu.sync_copy(hist, hists_hbm.at[wid])


@jax.jit
def _sc_stage(x_flat, labels):
    mesh = plsc.VectorSubcoreMesh(core_axis_name="c", subcore_axis_name="s")
    f = pl.kernel(
        _sc_body,
        mesh=mesh,
        out_type=[
            jax.ShapeDtypeStruct((NW, C * B), jnp.int32),
            jax.ShapeDtypeStruct((N,), jnp.float32),
            jax.ShapeDtypeStruct((N,), jnp.float32),
        ],
        scratch_types=[
            pltpu.VMEM((CH * C,), jnp.float32),
            pltpu.VMEM((CH,), jnp.int32),
            pltpu.VMEM((CH,), jnp.float32),
            pltpu.VMEM((CH,), jnp.float32),
            pltpu.VMEM((C * B,), jnp.int32),
        ],
        compiler_params=pltpu.CompilerParams(needs_layout_passes=False),
    )
    return f(x_flat, labels)


def _tc_body(h_ref, a_ref, s_ref, lab_ref, out_ref):
    hall = jnp.zeros((C, B), jnp.float32)
    hfg = jnp.zeros((C, B), jnp.float32)
    for w in range(NW):
        hw = h_ref[w]
        hall = hall + jnp.bitwise_and(hw, 0xFFFF).astype(jnp.float32)
        hfg = hfg + jnp.right_shift(hw, 16).astype(jnp.float32)

    ri = lax.broadcasted_iota(jnp.int32, (B, B), 0)
    ci = lax.broadcasted_iota(jnp.int32, (B, B), 1)
    lower = (ri >= ci).astype(jnp.float32)
    M = jax.lax.dot(hall, lower, precision=jax.lax.Precision.HIGHEST)
    F = jax.lax.dot(hfg, lower, precision=jax.lax.Precision.HIGHEST)
    G = F[:, 0:1]
    denom = jnp.maximum(M + G - F, 1.0)
    J = M / denom
    loss_c = (jnp.sum(J, axis=1, keepdims=True) - 0.5 * J[:, 0:1]) / float(B)
    present = (G > 0.0).astype(jnp.float32)
    lovasz = jnp.sum(loss_c * present) / jnp.maximum(jnp.sum(present), 1.0)

    lab = lab_ref[...]
    w = jnp.zeros(lab.shape, jnp.float32)
    for c in range(C):
        w = jnp.where(lab == c, float(_CLASS_WEIGHTS[c]), w)
    nll = jnp.log(s_ref[...]) - a_ref[...]
    ce = jnp.sum(w * nll) / jnp.sum(w)

    out_ref[...] = jnp.reshape(lovasz + ce, (1, 1))


@jax.jit
def _tc_stage(hists, a, s, labels):
    h2 = hists.reshape(NW, C, B)
    a2 = a.reshape(N // 1024, 1024)
    s2 = s.reshape(N // 1024, 1024)
    lab2 = labels.reshape(N // 1024, 1024)
    out = pl.pallas_call(
        _tc_body,
        out_shape=jax.ShapeDtypeStruct((1, 1), jnp.float32),
    )(h2, a2, s2, lab2)
    return out[0, 0]


def kernel(seg_pred, voxel_semantics):
    x_flat = seg_pred.reshape(-1)
    labels = voxel_semantics.astype(jnp.int32)
    hists, a, s = _sc_stage(x_flat, labels)
    return _tc_stage(hists, a, s, labels)

# --- scband reference (transcript-rebuilt; emitter-appended) ---
"""Pipeline reference for scband-sparse-occ-head-8899172238122 (READ-ONLY COPY).

The authoritative reference and input builder live on the scoring server;
editing this copy changes nothing except your own understanding.
"""

import jax, jax.numpy as jnp
import numpy as np

NUSC_CLASS_FREQ = np.array([944004, 1897170, 152386, 2391677, 16957802, 724139, 189027, 2074468, 413451, 2384460, 5916653, 175883646, 4275424, 51393615, 61411620, 105975596, 116424404, 1892500630], dtype=np.float64)
NUM_CLASSES = 18
N_VOXELS = 640000


def setup_inputs(seed: int = 0):
    key = jax.random.key(seed)
    k1, k2 = jax.random.split(key)
    seg_pred = jax.random.normal(k1, (N_VOXELS, NUM_CLASSES), dtype=jnp.float32)
    voxel_semantics = jax.random.randint(k2, (N_VOXELS,), 0, NUM_CLASSES, dtype=jnp.int32)
    return {"seg_pred": seg_pred, "voxel_semantics": voxel_semantics}


def lovasz_grad(gt_sorted):
    gts = jnp.sum(gt_sorted)
    intersection = gts - jnp.cumsum(gt_sorted)
    union = gts + jnp.cumsum(1.0 - gt_sorted)
    jaccard = 1.0 - intersection / union
    jaccard = jnp.concatenate([jaccard[:1], jaccard[1:] - jaccard[:-1]])
    return jaccard


def lovasz_softmax_flat(probas, labels):
    losses = []
    present = []
    for c in range(NUM_CLASSES):
        fg = (labels == c).astype(probas.dtype)
        errors = jnp.abs(fg - probas[:, c])
        perm = jnp.argsort(-errors)
        errors_sorted = jnp.take(errors, perm)
        fg_sorted = jnp.take(fg, perm)
        grad = jax.lax.stop_gradient(lovasz_grad(fg_sorted))
        losses.append(jnp.dot(errors_sorted, grad))
        present.append(jnp.sum(fg) > 0)
    losses = jnp.stack(losses)
    present = jnp.stack(present).astype(probas.dtype)
    return jnp.sum(losses * present) / jnp.maximum(jnp.sum(present), 1.0)


def ce_ssc_loss(seg_pred, labels, class_weights):
    logp = jax.nn.log_softmax(seg_pred, axis=-1)
    nll = -jnp.take_along_axis(logp, labels[:, None].astype(jnp.int32), axis=-1)[:, 0]
    w = jnp.take(class_weights, labels)
    return jnp.sum(w * nll) / jnp.sum(w)


def reference(seg_pred, voxel_semantics):
    class_weights = jnp.asarray(1.0 / np.log(NUSC_CLASS_FREQ + 0.001), dtype=jnp.float32)
    probas = jax.nn.softmax(seg_pred, axis=-1)
    loss_sem_lovasz = lovasz_softmax_flat(probas, voxel_semantics)
    loss_sem_ce = ce_ssc_loss(seg_pred, voxel_semantics, class_weights)
    return loss_sem_lovasz + loss_sem_ce

if __name__ == "__main__":
    import jax
    _d = setup_inputs()
    print(jax.jit(kernel)(*tuple(_d.values())))

</pallas_src>

<mosaic_0001>
#map = affine_map<(d0, d1) -> (0)>
#map1 = affine_map<(d0, d1) -> (0, 0)>
module attributes {stable_mosaic.version = 14 : i64} {
  func.func @_sc_body(%arg0: i32, %arg1: i32, %arg2: memref<11520000xf32, #tpu.memory_space<hbm>>, %arg3: memref<640000xi32, #tpu.memory_space<hbm>>, %arg4: memref<32x9216xi32, #tpu.memory_space<hbm>>, %arg5: memref<640000xf32, #tpu.memory_space<hbm>>, %arg6: memref<640000xf32, #tpu.memory_space<hbm>>, %arg7: memref<36000xf32, #tpu.memory_space<vmem>>, %arg8: memref<2000xi32, #tpu.memory_space<vmem>>, %arg9: memref<2000xf32, #tpu.memory_space<vmem>>, %arg10: memref<2000xf32, #tpu.memory_space<vmem>>, %arg11: memref<9216xi32, #tpu.memory_space<vmem>>) attributes {dimension_semantics = [#tpu.dimension_semantics<core_parallel>, #tpu.dimension_semantics<subcore_parallel>], iteration_bounds = array<i64: 2, 16>, scalar_prefetch = 0 : i64, scratch_operands = 5 : i64, tpu.core_type = #tpu.core_type<sc_vector_subcore>, window_params = [{transform_indices = #map}, {transform_indices = #map}, {transform_indices = #map1}, {transform_indices = #map}, {transform_indices = #map}]} {
    %mul3A = arith.constant 2 : i32
    %mul3A_0 = arith.muli %arg1, %mul3A : i32
    %add3A = arith.addi %mul3A_0, %arg0 : i32
    %iota3A = tpu.iota {dimensions = array<i32: 0>} : vector<16xi32>
    %mul3A_1 = arith.constant 18 : i32
    %mul3A_2 = vector.broadcast %mul3A_1 : i32 to vector<16xi32>
    %mul3A_3 = arith.muli %iota3A, %mul3A_2 : vector<16xi32>
    %broadcast_in_dim3A = arith.constant 0 : i32
    %broadcast_in_dim3A_4 = vector.broadcast %broadcast_in_dim3A : i32 to vector<16xi32>
    %scan3A = arith.constant 0 : i32
    %scan3A_5 = arith.constant 0 : i32
    %scan3A_6 = arith.constant 576 : i32
    %scan3A_7 = arith.addi %scan3A_5, %scan3A_6 : i32
    %scan3A_8 = arith.constant 1 : i32
    scf.for %scan3A_16 = %scan3A_5 to %scan3A_7 step %scan3A_8  : i32 {
      %mul3A_17 = arith.constant 16 : i32
      %mul3A_18 = arith.muli %scan3A_16, %mul3A_17 : i32
      %swap3A = arith.index_cast %mul3A_18 : i32 to index
      %swap3A_19 = tpu.vector_load %arg11[%swap3A] {strides = array<i32>} : memref<9216xi32, #tpu.memory_space<vmem>>, vector<16xi32>,
      tpu.vector_store %arg11[%swap3A], %broadcast_in_dim3A_4 {strides = array<i32>} : memref<9216xi32, #tpu.memory_space<vmem>>, vector<16xi32>,
    }
    %scan3A_9 = arith.constant 576 : i32
    %scan3A_10 = arith.constant 0 : i32
    %scan3A_11 = arith.constant 0 : i32
    %scan3A_12 = arith.constant 10 : i32
    %scan3A_13 = arith.addi %scan3A_11, %scan3A_12 : i32
    %scan3A_14 = arith.constant 1 : i32
    scf.for %scan3A_16 = %scan3A_11 to %scan3A_13 step %scan3A_14  : i32 {
      %mul3A_17 = arith.constant 20000 : i32
      %mul3A_18 = arith.muli %add3A, %mul3A_17 : i32
      %mul3A_19 = arith.constant 2000 : i32
      %mul3A_20 = arith.muli %scan3A_16, %mul3A_19 : i32
      %add3A_21 = arith.addi %mul3A_18, %mul3A_20 : i32
      %mul3A_22 = arith.constant 18 : i32
      %mul3A_23 = arith.muli %add3A_21, %mul3A_22 : i32
      %multiple_of3A = tpu.assume_multiple %mul3A_23, 8 : i32
      "tpu.region"() ({
        %run_scoped3A = tpu.sem_alloc : memref<!tpu.dma_semaphore, #tpu.memory_space<semaphore_mem>>
        %dma_start3A = tpu.memref_slice %arg2[%multiple_of3A] : memref<11520000xf32, #tpu.memory_space<hbm>> -> memref<36000xf32, #tpu.memory_space<hbm>>
        %dma_start3A_33 = tpu.memref_slice %arg2[%multiple_of3A] : memref<11520000xf32, #tpu.memory_space<hbm>> -> memref<36000xf32, #tpu.memory_space<hbm>>
        tpu.enqueue_dma source(%dma_start3A_33 : memref<36000xf32, #tpu.memory_space<hbm>>) target(%arg7 : memref<36000xf32, #tpu.memory_space<vmem>>) target_semaphore(%run_scoped3A : memref<!tpu.dma_semaphore, #tpu.memory_space<semaphore_mem>>)
        %dma_wait3A = tpu.memref_slice %arg2[%multiple_of3A] : memref<11520000xf32, #tpu.memory_space<hbm>> -> memref<36000xf32, #tpu.memory_space<hbm>>
        %dma_wait3A_34 = tpu.memref_slice %arg2[%multiple_of3A] : memref<11520000xf32, #tpu.memory_space<hbm>> -> memref<36000xf32, #tpu.memory_space<hbm>>
        tpu.wait_dma2 semaphore(%run_scoped3A : memref<!tpu.dma_semaphore, #tpu.memory_space<semaphore_mem>>) src(%dma_wait3A_34 : memref<36000xf32, #tpu.memory_space<hbm>>) dst(%arg7 : memref<36000xf32, #tpu.memory_space<vmem>>)
        tpu.yield
      }) : () -> ()
      %multiple_of3A_24 = tpu.assume_multiple %add3A_21, 8 : i32
      "tpu.region"() ({
        %run_scoped3A = tpu.sem_alloc : memref<!tpu.dma_semaphore, #tpu.memory_space<semaphore_mem>>
        %dma_start3A = tpu.memref_slice %arg3[%multiple_of3A_24] : memref<640000xi32, #tpu.memory_space<hbm>> -> memref<2000xi32, #tpu.memory_space<hbm>>
        %dma_start3A_33 = tpu.memref_slice %arg3[%multiple_of3A_24] : memref<640000xi32, #tpu.memory_space<hbm>> -> memref<2000xi32, #tpu.memory_space<hbm>>
        tpu.enqueue_dma source(%dma_start3A_33 : memref<2000xi32, #tpu.memory_space<hbm>>) target(%arg8 : memref<2000xi32, #tpu.memory_space<vmem>>) target_semaphore(%run_scoped3A : memref<!tpu.dma_semaphore, #tpu.memory_space<semaphore_mem>>)
        %dma_wait3A = tpu.memref_slice %arg3[%multiple_of3A_24] : memref<640000xi32, #tpu.memory_space<hbm>> -> memref<2000xi32, #tpu.memory_space<hbm>>
        %dma_wait3A_34 = tpu.memref_slice %arg3[%multiple_of3A_24] : memref<640000xi32, #tpu.memory_space<hbm>> -> memref<2000xi32, #tpu.memory_space<hbm>>
        tpu.wait_dma2 semaphore(%run_scoped3A : memref<!tpu.dma_semaphore, #tpu.memory_space<semaphore_mem>>) src(%dma_wait3A_34 : memref<2000xi32, #tpu.memory_space<hbm>>) dst(%arg8 : memref<2000xi32, #tpu.memory_space<vmem>>)
        tpu.yield
      }) : () -> ()
      %scan3A_25 = arith.constant 0 : i32
      %scan3A_26 = arith.constant 0 : i32
      %scan3A_27 = arith.constant 125 : i32
      %scan3A_28 = arith.addi %scan3A_26, %scan3A_27 : i32
      %scan3A_29 = arith.constant 1 : i32
      scf.for %scan3A_33 = %scan3A_26 to %scan3A_28 step %scan3A_29  : i32 {
        %mul3A_34 = arith.constant 288 : i32
        %mul3A_35 = arith.muli %scan3A_33, %mul3A_34 : i32
        %mul3A_36 = arith.constant 16 : i32
        %mul3A_37 = arith.muli %scan3A_33, %mul3A_36 : i32
        %get3A = arith.index_cast %mul3A_37 : i32 to index
        %get3A_38 = tpu.vector_load %arg8[%get3A] {strides = array<i32>} : memref<2000xi32, #tpu.memory_space<vmem>>, vector<16xi32>,
        %add3A_39 = arith.constant 0 : i32
        %add3A_40 = arith.addi %mul3A_35, %add3A_39 : i32
        %add3A_41 = vector.broadcast %add3A_40 : i32 to vector<16xi32>
        %add3A_42 = arith.addi %mul3A_3, %add3A_41 : vector<16xi32>
        %gather3A = tpu.vector_load_idx %arg7[%add3A_42] : memref<36000xf32, #tpu.memory_space<vmem>>[vector<16xi32>], vector<16xf32>,
        %add3A_43 = arith.constant 1 : i32
        %add3A_44 = arith.addi %mul3A_35, %add3A_43 : i32
        %add3A_45 = vector.broadcast %add3A_44 : i32 to vector<16xi32>
        %add3A_46 = arith.addi %mul3A_3, %add3A_45 : vector<16xi32>
        %gather3A_47 = tpu.vector_load_idx %arg7[%add3A_46] : memref<36000xf32, #tpu.memory_space<vmem>>[vector<16xi32>], vector<16xf32>,
        %add3A_48 = arith.constant 2 : i32
        %add3A_49 = arith.addi %mul3A_35, %add3A_48 : i32
        %add3A_50 = vector.broadcast %add3A_49 : i32 to vector<16xi32>
        %add3A_51 = arith.addi %mul3A_3, %add3A_50 : vector<16xi32>
        %gather3A_52 = tpu.vector_load_idx %arg7[%add3A_51] : memref<36000xf32, #tpu.memory_space<vmem>>[vector<16xi32>], vector<16xf32>,
        %add3A_53 = arith.constant 3 : i32
        %add3A_54 = arith.addi %mul3A_35, %add3A_53 : i32
        %add3A_55 = vector.broadcast %add3A_54 : i32 to vector<16xi32>
        %add3A_56 = arith.addi %mul3A_3, %add3A_55 : vector<16xi32>
        %gather3A_57 = tpu.vector_load_idx %arg7[%add3A_56] : memref<36000xf32, #tpu.memory_space<vmem>>[vector<16xi32>], vector<16xf32>,
        %add3A_58 = arith.constant 4 : i32
        %add3A_59 = arith.addi %mul3A_35, %add3A_58 : i32
        %add3A_60 = vector.broadcast %add3A_59 : i32 to vector<16xi32>
        %add3A_61 = arith.addi %mul3A_3, %add3A_60 : vector<16xi32>
        %gather3A_62 = tpu.vector_load_idx %arg7[%add3A_61] : memref<36000xf32, #tpu.memory_space<vmem>>[vector<16xi32>], vector<16xf32>,
        %add3A_63 = arith.constant 5 : i32
        %add3A_64 = arith.addi %mul3A_35, %add3A_63 : i32
        %add3A_65 = vector.broadcast %add3A_64 : i32 to vector<16xi32>
        %add3A_66 = arith.addi %mul3A_3, %add3A_65 : vector<16xi32>
        %gather3A_67 = tpu.vector_load_idx %arg7[%add3A_66] : memref<36000xf32, #tpu.memory_space<vmem>>[vector<16xi32>], vector<16xf32>,
        %add3A_68 = arith.constant 6 : i32
        %add3A_69 = arith.addi %mul3A_35, %add3A_68 : i32
        %add3A_70 = vector.broadcast %add3A_69 : i32 to vector<16xi32>
        %add3A_71 = arith.addi %mul3A_3, %add3A_70 : vector<16xi32>
        %gather3A_72 = tpu.vector_load_idx %arg7[%add3A_71] : memref<36000xf32, #tpu.memory_space<vmem>>[vector<16xi32>], vector<16xf32>,
        %add3A_73 = arith.constant 7 : i32
        %add3A_74 = arith.addi %mul3A_35, %add3A_73 : i32
        %add3A_75 = vector.broadcast %add3A_74 : i32 to vector<16xi32>
        %add3A_76 = arith.addi %mul3A_3, %add3A_75 : vector<16xi32>
        %gather3A_77 = tpu.vector_load_idx %arg7[%add3A_76] : memref<36000xf32, #tpu.memory_space<vmem>>[vector<16xi32>], vector<16xf32>,
        %add3A_78 = arith.constant 8 : i32
        %add3A_79 = arith.addi %mul3A_35, %add3A_78 : i32
        %add3A_80 = vector.broadcast %add3A_79 : i32 to vector<16xi32>
        %add3A_81 = arith.addi %mul3A_3, %add3A_80 : vector<16xi32>
        %gather3A_82 = tpu.vector_load_idx %arg7[%add3A_81] : memref<36000xf32, #tpu.memory_space<vmem>>[vector<16xi32>], vector<16xf32>,
        %add3A_83 = arith.constant 9 : i32
        %add3A_84 = arith.addi %mul3A_35, %add3A_83 : i32
        %add3A_85 = vector.broadcast %add3A_84 : i32 to vector<16xi32>
        %add3A_86 = arith.addi %mul3A_3, %add3A_85 : vector<16xi32>
        %gather3A_87 = tpu.vector_load_idx %arg7[%add3A_86] : memref<36000xf32, #tpu.memory_space<vmem>>[vector<16xi32>], vector<16xf32>,
        %add3A_88 = arith.constant 10 : i32
        %add3A_89 = arith.addi %mul3A_35, %add3A_88 : i32
        %add3A_90 = vector.broadcast %add3A_89 : i32 to vector<16xi32>
        %add3A_91 = arith.addi %mul3A_3, %add3A_90 : vector<16xi32>
        %gather3A_92 = tpu.vector_load_idx %arg7[%add3A_91] : memref<36000xf32, #tpu.memory_space<vmem>>[vector<16xi32>], vector<16xf32>,
        %add3A_93 = arith.constant 11 : i32
        %add3A_94 = arith.addi %mul3A_35, %add3A_93 : i32
        %add3A_95 = vector.broadcast %add3A_94 : i32 to vector<16xi32>
        %add3A_96 = arith.addi %mul3A_3, %add3A_95 : vector<16xi32>
        %gather3A_97 = tpu.vector_load_idx %arg7[%add3A_96] : memref<36000xf32, #tpu.memory_space<vmem>>[vector<16xi32>], vector<16xf32>,
        %add3A_98 = arith.constant 12 : i32
        %add3A_99 = arith.addi %mul3A_35, %add3A_98 : i32
        %add3A_100 = vector.broadcast %add3A_99 : i32 to vector<16xi32>
        %add3A_101 = arith.addi %mul3A_3, %add3A_100 : vector<16xi32>
        %gather3A_102 = tpu.vector_load_idx %arg7[%add3A_101] : memref<36000xf32, #tpu.memory_space<vmem>>[vector<16xi32>], vector<16xf32>,
        %add3A_103 = arith.constant 13 : i32
        %add3A_104 = arith.addi %mul3A_35, %add3A_103 : i32
        %add3A_105 = vector.broadcast %add3A_104 : i32 to vector<16xi32>
        %add3A_106 = arith.addi %mul3A_3, %add3A_105 : vector<16xi32>
        %gather3A_107 = tpu.vector_load_idx %arg7[%add3A_106] : memref<36000xf32, #tpu.memory_space<vmem>>[vector<16xi32>], vector<16xf32>,
        %add3A_108 = arith.constant 14 : i32
        %add3A_109 = arith.addi %mul3A_35, %add3A_108 : i32
        %add3A_110 = vector.broadcast %add3A_109 : i32 to vector<16xi32>
        %add3A_111 = arith.addi %mul3A_3, %add3A_110 : vector<16xi32>
        %gather3A_112 = tpu.vector_load_idx %arg7[%add3A_111] : memref<36000xf32, #tpu.memory_space<vmem>>[vector<16xi32>], vector<16xf32>,
        %add3A_113 = arith.constant 15 : i32
        %add3A_114 = arith.addi %mul3A_35, %add3A_113 : i32
        %add3A_115 = vector.broadcast %add3A_114 : i32 to vector<16xi32>
        %add3A_116 = arith.addi %mul3A_3, %add3A_115 : vector<16xi32>
        %gather3A_117 = tpu.vector_load_idx %arg7[%add3A_116] : memref<36000xf32, #tpu.memory_space<vmem>>[vector<16xi32>], vector<16xf32>,
        %add3A_118 = arith.constant 16 : i32
        %add3A_119 = arith.addi %mul3A_35, %add3A_118 : i32
        %add3A_120 = vector.broadcast %add3A_119 : i32 to vector<16xi32>
        %add3A_121 = arith.addi %mul3A_3, %add3A_120 : vector<16xi32>
        %gather3A_122 = tpu.vector_load_idx %arg7[%add3A_121] : memref<36000xf32, #tpu.memory_space<vmem>>[vector<16xi32>], vector<16xf32>,
        %add3A_123 = arith.constant 17 : i32
        %add3A_124 = arith.addi %mul3A_35, %add3A_123 : i32
        %add3A_125 = vector.broadcast %add3A_124 : i32 to vector<16xi32>
        %add3A_126 = arith.addi %mul3A_3, %add3A_125 : vector<16xi32>
        %gather3A_127 = tpu.vector_load_idx %arg7[%add3A_126] : memref<36000xf32, #tpu.memory_space<vmem>>[vector<16xi32>], vector<16xf32>,
        %max3A = arith.maximumf %gather3A, %gather3A_47 : vector<16xf32>
        %max3A_128 = arith.maximumf %max3A, %gather3A_52 : vector<16xf32>
        %max3A_129 = arith.maximumf %max3A_128, %gather3A_57 : vector<16xf32>
        %max3A_130 = arith.maximumf %max3A_129, %gather3A_62 : vector<16xf32>
        %max3A_131 = arith.maximumf %max3A_130, %gather3A_67 : vector<16xf32>
        %max3A_132 = arith.maximumf %max3A_131, %gather3A_72 : vector<16xf32>
        %max3A_133 = arith.maximumf %max3A_132, %gather3A_77 : vector<16xf32>
        %max3A_134 = arith.maximumf %max3A_133, %gather3A_82 : vector<16xf32>
        %max3A_135 = arith.maximumf %max3A_134, %gather3A_87 : vector<16xf32>
        %max3A_136 = arith.maximumf %max3A_135, %gather3A_92 : vector<16xf32>
        %max3A_137 = arith.maximumf %max3A_136, %gather3A_97 : vector<16xf32>
        %max3A_138 = arith.maximumf %max3A_137, %gather3A_102 : vector<16xf32>
        %max3A_139 = arith.maximumf %max3A_138, %gather3A_107 : vector<16xf32>
        %max3A_140 = arith.maximumf %max3A_139, %gather3A_112 : vector<16xf32>
        %max3A_141 = arith.maximumf %max3A_140, %gather3A_117 : vector<16xf32>
        %max3A_142 = arith.maximumf %max3A_141, %gather3A_122 : vector<16xf32>
        %max3A_143 = arith.maximumf %max3A_142, %gather3A_127 : vector<16xf32>
        %sub3A = arith.subf %gather3A, %max3A_143 : vector<16xf32>
        %exp3A = math.exp %sub3A : vector<16xf32>
        %sub3A_144 = arith.subf %gather3A_47, %max3A_143 : vector<16xf32>
        %exp3A_145 = math.exp %sub3A_144 : vector<16xf32>
        %sub3A_146 = arith.subf %gather3A_52, %max3A_143 : vector<16xf32>
        %exp3A_147 = math.exp %sub3A_146 : vector<16xf32>
        %sub3A_148 = arith.subf %gather3A_57, %max3A_143 : vector<16xf32>
        %exp3A_149 = math.exp %sub3A_148 : vector<16xf32>
        %sub3A_150 = arith.subf %gather3A_62, %max3A_143 : vector<16xf32>
        %exp3A_151 = math.exp %sub3A_150 : vector<16xf32>
        %sub3A_152 = arith.subf %gather3A_67, %max3A_143 : vector<16xf32>
        %exp3A_153 = math.exp %sub3A_152 : vector<16xf32>
        %sub3A_154 = arith.subf %gather3A_72, %max3A_143 : vector<16xf32>
        %exp3A_155 = math.exp %sub3A_154 : vector<16xf32>
        %sub3A_156 = arith.subf %gather3A_77, %max3A_143 : vector<16xf32>
        %exp3A_157 = math.exp %sub3A_156 : vector<16xf32>
        %sub3A_158 = arith.subf %gather3A_82, %max3A_143 : vector<16xf32>
        %exp3A_159 = math.exp %sub3A_158 : vector<16xf32>
        %sub3A_160 = arith.subf %gather3A_87, %max3A_143 : vector<16xf32>
        %exp3A_161 = math.exp %sub3A_160 : vector<16xf32>
        %sub3A_162 = arith.subf %gather3A_92, %max3A_143 : vector<16xf32>
        %exp3A_163 = math.exp %sub3A_162 : vector<16xf32>
        %sub3A_164 = arith.subf %gather3A_97, %max3A_143 : vector<16xf32>
        %exp3A_165 = math.exp %sub3A_164 : vector<16xf32>
        %sub3A_166 = arith.subf %gather3A_102, %max3A_143 : vector<16xf32>
        %exp3A_167 = math.exp %sub3A_166 : vector<16xf32>
        %sub3A_168 = arith.subf %gather3A_107, %max3A_143 : vector<16xf32>
        %exp3A_169 = math.exp %sub3A_168 : vector<16xf32>
        %sub3A_170 = arith.subf %gather3A_112, %max3A_143 : vector<16xf32>
        %exp3A_171 = math.exp %sub3A_170 : vector<16xf32>
        %sub3A_172 = arith.subf %gather3A_117, %max3A_143 : vector<16xf32>
        %exp3A_173 = math.exp %sub3A_172 : vector<16xf32>
        %sub3A_174 = arith.subf %gather3A_122, %max3A_143 : vector<16xf32>
        %exp3A_175 = math.exp %sub3A_174 : vector<16xf32>
        %sub3A_176 = arith.subf %gather3A_127, %max3A_143 : vector<16xf32>
        %exp3A_177 = math.exp %sub3A_176 : vector<16xf32>
        %add3A_178 = arith.addf %exp3A, %exp3A_145 : vector<16xf32>
        %add3A_179 = arith.addf %add3A_178, %exp3A_147 : vector<16xf32>
        %add3A_180 = arith.addf %add3A_179, %exp3A_149 : vector<16xf32>
        %add3A_181 = arith.addf %add3A_180, %exp3A_151 : vector<16xf32>
        %add3A_182 = arith.addf %add3A_181, %exp3A_153 : vector<16xf32>
        %add3A_183 = arith.addf %add3A_182, %exp3A_155 : vector<16xf32>
        %add3A_184 = arith.addf %add3A_183, %exp3A_157 : vector<16xf32>
        %add3A_185 = arith.addf %add3A_184, %exp3A_159 : vector<16xf32>
        %add3A_186 = arith.addf %add3A_185, %exp3A_161 : vector<16xf32>
        %add3A_187 = arith.addf %add3A_186, %exp3A_163 : vector<16xf32>
        %add3A_188 = arith.addf %add3A_187, %exp3A_165 : vector<16xf32>
        %add3A_189 = arith.addf %add3A_188, %exp3A_167 : vector<16xf32>
        %add3A_190 = arith.addf %add3A_189, %exp3A_169 : vector<16xf32>
        %add3A_191 = arith.addf %add3A_190, %exp3A_171 : vector<16xf32>
        %add3A_192 = arith.addf %add3A_191, %exp3A_173 : vector<16xf32>
        %add3A_193 = arith.addf %add3A_192, %exp3A_175 : vector<16xf32>
        %add3A_194 = arith.addf %add3A_193, %exp3A_177 : vector<16xf32>
        %div3A = arith.constant 5.120000e+02 : f32
        %div3A_195 = vector.broadcast %div3A : f32 to vector<16xf32>
        %div3A_196 = arith.divf %div3A_195, %add3A_194 : vector<16xf32>
        %mul3A_197 = arith.mulf %exp3A, %div3A_196 : vector<16xf32>
        %eq3A = arith.constant 0 : i32
        %eq3A_198 = vector.broadcast %eq3A : i32 to vector<16xi32>
        %eq3A_199 = arith.cmpi eq, %get3A_38, %eq3A_198 : vector<16xi32>
        %sub3A_200 = arith.constant 5.120000e+02 : f32
        %sub3A_201 = vector.broadcast %sub3A_200 : f32 to vector<16xf32>
        %sub3A_202 = arith.subf %sub3A_201, %mul3A_197 : vector<16xf32>
        %select_n3A = arith.select %eq3A_199, %sub3A_202, %mul3A_197 : vector<16xi1>, vector<16xf32>
        %convert_element_type3A = arith.fptosi %select_n3A : vector<16xf32> to vector<16xi32>
        %min3A = arith.constant 511 : i32
        %min3A_203 = vector.broadcast %min3A : i32 to vector<16xi32>
        %min3A_204 = arith.minsi %convert_element_type3A, %min3A_203 : vector<16xi32>
        %jit3A = arith.constant 65537 : i32
        %jit3A_205 = arith.constant 1 : i32
        %broadcast_in_dim3A_206 = vector.broadcast %jit3A : i32 to vector<16xi32>
        %broadcast_in_dim3A_207 = vector.broadcast %jit3A_205 : i32 to vector<16xi32>
        %select_n3A_208 = arith.select %eq3A_199, %broadcast_in_dim3A_206, %broadcast_in_dim3A_207 : vector<16xi1>, vector<16xi32>
        %add3A_209 = arith.constant 0 : i32
        %add3A_210 = vector.broadcast %add3A_209 : i32 to vector<16xi32>
        %add3A_211 = arith.addi %min3A_204, %add3A_210 : vector<16xi32>
        tpu.vector_store_idx %arg11[%add3A_211], %select_n3A_208 {add = true} : memref<9216xi32, #tpu.memory_space<vmem>>[vector<16xi32>], vector<16xi32>,
        %mul3A_212 = arith.mulf %exp3A_145, %div3A_196 : vector<16xf32>
        %eq3A_213 = arith.constant 1 : i32
        %eq3A_214 = vector.broadcast %eq3A_213 : i32 to vector<16xi32>
        %eq3A_215 = arith.cmpi eq, %get3A_38, %eq3A_214 : vector<16xi32>
        %sub3A_216 = arith.constant 5.120000e+02 : f32
        %sub3A_217 = vector.broadcast %sub3A_216 : f32 to vector<16xf32>
        %sub3A_218 = arith.subf %sub3A_217, %mul3A_212 : vector<16xf32>
        %select_n3A_219 = arith.select %eq3A_215, %sub3A_218, %mul3A_212 : vector<16xi1>, vector<16xf32>
        %convert_element_type3A_220 = arith.fptosi %select_n3A_219 : vector<16xf32> to vector<16xi32>
        %min3A_221 = arith.constant 511 : i32
        %min3A_222 = vector.broadcast %min3A_221 : i32 to vector<16xi32>
        %min3A_223 = arith.minsi %convert_element_type3A_220, %min3A_222 : vector<16xi32>
        %jit3A_224 = arith.constant 65537 : i32
        %jit3A_225 = arith.constant 1 : i32
        %broadcast_in_dim3A_226 = vector.broadcast %jit3A_224 : i32 to vector<16xi32>
        %broadcast_in_dim3A_227 = vector.broadcast %jit3A_225 : i32 to vector<16xi32>
        %select_n3A_228 = arith.select %eq3A_215, %broadcast_in_dim3A_226, %broadcast_in_dim3A_227 : vector<16xi1>, vector<16xi32>
        %add3A_229 = arith.constant 512 : i32
        %add3A_230 = vector.broadcast %add3A_229 : i32 to vector<16xi32>
        %add3A_231 = arith.addi %min3A_223, %add3A_230 : vector<16xi32>
        tpu.vector_store_idx %arg11[%add3A_231], %select_n3A_228 {add = true} : memref<9216xi32, #tpu.memory_space<vmem>>[vector<16xi32>], vector<16xi32>,
        %mul3A_232 = arith.mulf %exp3A_147, %div3A_196 : vector<16xf32>
        %eq3A_233 = arith.constant 2 : i32
        %eq3A_234 = vector.broadcast %eq3A_233 : i32 to vector<16xi32>
        %eq3A_235 = arith.cmpi eq, %get3A_38, %eq3A_234 : vector<16xi32>
        %sub3A_236 = arith.constant 5.120000e+02 : f32
        %sub3A_237 = vector.broadcast %sub3A_236 : f32 to vector<16xf32>
        %sub3A_238 = arith.subf %sub3A_237, %mul3A_232 : vector<16xf32>
        %select_n3A_239 = arith.select %eq3A_235, %sub3A_238, %mul3A_232 : vector<16xi1>, vector<16xf32>
        %convert_element_type3A_240 = arith.fptosi %select_n3A_239 : vector<16xf32> to vector<16xi32>
        %min3A_241 = arith.constant 511 : i32
        %min3A_242 = vector.broadcast %min3A_241 : i32 to vector<16xi32>
        %min3A_243 = arith.minsi %convert_element_type3A_240, %min3A_242 : vector<16xi32>
        %jit3A_244 = arith.constant 65537 : i32
        %jit3A_245 = arith.constant 1 : i32
        %broadcast_in_dim3A_246 = vector.broadcast %jit3A_244 : i32 to vector<16xi32>
        %broadcast_in_dim3A_247 = vector.broadcast %jit3A_245 : i32 to vector<16xi32>
        %select_n3A_248 = arith.select %eq3A_235, %broadcast_in_dim3A_246, %broadcast_in_dim3A_247 : vector<16xi1>, vector<16xi32>
        %add3A_249 = arith.constant 1024 : i32
        %add3A_250 = vector.broadcast %add3A_249 : i32 to vector<16xi32>
        %add3A_251 = arith.addi %min3A_243, %add3A_250 : vector<16xi32>
        tpu.vector_store_idx %arg11[%add3A_251], %select_n3A_248 {add = true} : memref<9216xi32, #tpu.memory_space<vmem>>[vector<16xi32>], vector<16xi32>,
        %mul3A_252 = arith.mulf %exp3A_149, %div3A_196 : vector<16xf32>
        %eq3A_253 = arith.constant 3 : i32
        %eq3A_254 = vector.broadcast %eq3A_253 : i32 to vector<16xi32>
        %eq3A_255 = arith.cmpi eq, %get3A_38, %eq3A_254 : vector<16xi32>
        %sub3A_256 = arith.constant 5.120000e+02 : f32
        %sub3A_257 = vector.broadcast %sub3A_256 : f32 to vector<16xf32>
        %sub3A_258 = arith.subf %sub3A_257, %mul3A_252 : vector<16xf32>
        %select_n3A_259 = arith.select %eq3A_255, %sub3A_258, %mul3A_252 : vector<16xi1>, vector<16xf32>
        %convert_element_type3A_260 = arith.fptosi %select_n3A_259 : vector<16xf32> to vector<16xi32>
        %min3A_261 = arith.constant 511 : i32
        %min3A_262 = vector.broadcast %min3A_261 : i32 to vector<16xi32>
        %min3A_263 = arith.minsi %convert_element_type3A_260, %min3A_262 : vector<16xi32>
        %jit3A_264 = arith.constant 65537 : i32
        %jit3A_265 = arith.constant 1 : i32
        %broadcast_in_dim3A_266 = vector.broadcast %jit3A_264 : i32 to vector<16xi32>
        %broadcast_in_dim3A_267 = vector.broadcast %jit3A_265 : i32 to vector<16xi32>
        %select_n3A_268 = arith.select %eq3A_255, %broadcast_in_dim3A_266, %broadcast_in_dim3A_267 : vector<16xi1>, vector<16xi32>
        %add3A_269 = arith.constant 1536 : i32
        %add3A_270 = vector.broadcast %add3A_269 : i32 to vector<16xi32>
        %add3A_271 = arith.addi %min3A_263, %add3A_270 : vector<16xi32>
        tpu.vector_store_idx %arg11[%add3A_271], %select_n3A_268 {add = true} : memref<9216xi32, #tpu.memory_space<vmem>>[vector<16xi32>], vector<16xi32>,
        %mul3A_272 = arith.mulf %exp3A_151, %div3A_196 : vector<16xf32>
        %eq3A_273 = arith.constant 4 : i32
        %eq3A_274 = vector.broadcast %eq3A_273 : i32 to vector<16xi32>
        %eq3A_275 = arith.cmpi eq, %get3A_38, %eq3A_274 : vector<16xi32>
        %sub3A_276 = arith.constant 5.120000e+02 : f32
        %sub3A_277 = vector.broadcast %sub3A_276 : f32 to vector<16xf32>
        %sub3A_278 = arith.subf %sub3A_277, %mul3A_272 : vector<16xf32>
        %select_n3A_279 = arith.select %eq3A_275, %sub3A_278, %mul3A_272 : vector<16xi1>, vector<16xf32>
        %convert_element_type3A_280 = arith.fptosi %select_n3A_279 : vector<16xf32> to vector<16xi32>
        %min3A_281 = arith.constant 511 : i32
        %min3A_282 = vector.broadcast %min3A_281 : i32 to vector<16xi32>
        %min3A_283 = arith.minsi %convert_element_type3A_280, %min3A_282 : vector<16xi32>
        %jit3A_284 = arith.constant 65537 : i32
        %jit3A_285 = arith.constant 1 : i32
        %broadcast_in_dim3A_286 = vector.broadcast %jit3A_284 : i32 to vector<16xi32>
        %broadcast_in_dim3A_287 = vector.broadcast %jit3A_285 : i32 to vector<16xi32>
        %select_n3A_288 = arith.select %eq3A_275, %broadcast_in_dim3A_286, %broadcast_in_dim3A_287 : vector<16xi1>, vector<16xi32>
        %add3A_289 = arith.constant 2048 : i32
        %add3A_290 = vector.broadcast %add3A_289 : i32 to vector<16xi32>
        %add3A_291 = arith.addi %min3A_283, %add3A_290 : vector<16xi32>
        tpu.vector_store_idx %arg11[%add3A_291], %select_n3A_288 {add = true} : memref<9216xi32, #tpu.memory_space<vmem>>[vector<16xi32>], vector<16xi32>,
        %mul3A_292 = arith.mulf %exp3A_153, %div3A_196 : vector<16xf32>
        %eq3A_293 = arith.constant 5 : i32
        %eq3A_294 = vector.broadcast %eq3A_293 : i32 to vector<16xi32>
        %eq3A_295 = arith.cmpi eq, %get3A_38, %eq3A_294 : vector<16xi32>
        %sub3A_296 = arith.constant 5.120000e+02 : f32
        %sub3A_297 = vector.broadcast %sub3A_296 : f32 to vector<16xf32>
        %sub3A_298 = arith.subf %sub3A_297, %mul3A_292 : vector<16xf32>
        %select_n3A_299 = arith.select %eq3A_295, %sub3A_298, %mul3A_292 : vector<16xi1>, vector<16xf32>
        %convert_element_type3A_300 = arith.fptosi %select_n3A_299 : vector<16xf32> to vector<16xi32>
        %min3A_301 = arith.constant 511 : i32
        %min3A_302 = vector.broadcast %min3A_301 : i32 to vector<16xi32>
        %min3A_303 = arith.minsi %convert_element_type3A_300, %min3A_302 : vector<16xi32>
        %jit3A_304 = arith.constant 65537 : i32
        %jit3A_305 = arith.constant 1 : i32
        %broadcast_in_dim3A_306 = vector.broadcast %jit3A_304 : i32 to vector<16xi32>
        %broadcast_in_dim3A_307 = vector.broadcast %jit3A_305 : i32 to vector<16xi32>
        %select_n3A_308 = arith.select %eq3A_295, %broadcast_in_dim3A_306, %broadcast_in_dim3A_307 : vector<16xi1>, vector<16xi32>
        %add3A_309 = arith.constant 2560 : i32
        %add3A_310 = vector.broadcast %add3A_309 : i32 to vector<16xi32>
        %add3A_311 = arith.addi %min3A_303, %add3A_310 : vector<16xi32>
        tpu.vector_store_idx %arg11[%add3A_311], %select_n3A_308 {add = true} : memref<9216xi32, #tpu.memory_space<vmem>>[vector<16xi32>], vector<16xi32>,
        %mul3A_312 = arith.mulf %exp3A_155, %div3A_196 : vector<16xf32>
        %eq3A_313 = arith.constant 6 : i32
        %eq3A_314 = vector.broadcast %eq3A_313 : i32 to vector<16xi32>
        %eq3A_315 = arith.cmpi eq, %get3A_38, %eq3A_314 : vector<16xi32>
        %sub3A_316 = arith.constant 5.120000e+02 : f32
        %sub3A_317 = vector.broadcast %sub3A_316 : f32 to vector<16xf32>
        %sub3A_318 = arith.subf %sub3A_317, %mul3A_312 : vector<16xf32>
        %select_n3A_319 = arith.select %eq3A_315, %sub3A_318, %mul3A_312 : vector<16xi1>, vector<16xf32>
        %convert_element_type3A_320 = arith.fptosi %select_n3A_319 : vector<16xf32> to vector<16xi32>
        %min3A_321 = arith.constant 511 : i32
        %min3A_322 = vector.broadcast %min3A_321 : i32 to vector<16xi32>
        %min3A_323 = arith.minsi %convert_element_type3A_320, %min3A_322 : vector<16xi32>
        %jit3A_324 = arith.constant 65537 : i32
        %jit3A_325 = arith.constant 1 : i32
        %broadcast_in_dim3A_326 = vector.broadcast %jit3A_324 : i32 to vector<16xi32>
        %broadcast_in_dim3A_327 = vector.broadcast %jit3A_325 : i32 to vector<16xi32>
        %select_n3A_328 = arith.select %eq3A_315, %broadcast_in_dim3A_326, %broadcast_in_dim3A_327 : vector<16xi1>, vector<16xi32>
        %add3A_329 = arith.constant 3072 : i32
        %add3A_330 = vector.broadcast %add3A_329 : i32 to vector<16xi32>
        %add3A_331 = arith.addi %min3A_323, %add3A_330 : vector<16xi32>
        tpu.vector_store_idx %arg11[%add3A_331], %select_n3A_328 {add = true} : memref<9216xi32, #tpu.memory_space<vmem>>[vector<16xi32>], vector<16xi32>,
        %mul3A_332 = arith.mulf %exp3A_157, %div3A_196 : vector<16xf32>
        %eq3A_333 = arith.constant 7 : i32
        %eq3A_334 = vector.broadcast %eq3A_333 : i32 to vector<16xi32>
        %eq3A_335 = arith.cmpi eq, %get3A_38, %eq3A_334 : vector<16xi32>
        %sub3A_336 = arith.constant 5.120000e+02 : f32
        %sub3A_337 = vector.broadcast %sub3A_336 : f32 to vector<16xf32>
        %sub3A_338 = arith.subf %sub3A_337, %mul3A_332 : vector<16xf32>
        %select_n3A_339 = arith.select %eq3A_335, %sub3A_338, %mul3A_332 : vector<16xi1>, vector<16xf32>
        %convert_element_type3A_340 = arith.fptosi %select_n3A_339 : vector<16xf32> to vector<16xi32>
        %min3A_341 = arith.constant 511 : i32
        %min3A_342 = vector.broadcast %min3A_341 : i32 to vector<16xi32>
        %min3A_343 = arith.minsi %convert_element_type3A_340, %min3A_342 : vector<16xi32>
        %jit3A_344 = arith.constant 65537 : i32
        %jit3A_345 = arith.constant 1 : i32
        %broadcast_in_dim3A_346 = vector.broadcast %jit3A_344 : i32 to vector<16xi32>
        %broadcast_in_dim3A_347 = vector.broadcast %jit3A_345 : i32 to vector<16xi32>
        %select_n3A_348 = arith.select %eq3A_335, %broadcast_in_dim3A_346, %broadcast_in_dim3A_347 : vector<16xi1>, vector<16xi32>
        %add3A_349 = arith.constant 3584 : i32
        %add3A_350 = vector.broadcast %add3A_349 : i32 to vector<16xi32>
        %add3A_351 = arith.addi %min3A_343, %add3A_350 : vector<16xi32>
        tpu.vector_store_idx %arg11[%add3A_351], %select_n3A_348 {add = true} : memref<9216xi32, #tpu.memory_space<vmem>>[vector<16xi32>], vector<16xi32>,
        %mul3A_352 = arith.mulf %exp3A_159, %div3A_196 : vector<16xf32>
        %eq3A_353 = arith.constant 8 : i32
        %eq3A_354 = vector.broadcast %eq3A_353 : i32 to vector<16xi32>
        %eq3A_355 = arith.cmpi eq, %get3A_38, %eq3A_354 : vector<16xi32>
        %sub3A_356 = arith.constant 5.120000e+02 : f32
        %sub3A_357 = vector.broadcast %sub3A_356 : f32 to vector<16xf32>
        %sub3A_358 = arith.subf %sub3A_357, %mul3A_352 : vector<16xf32>
        %select_n3A_359 = arith.select %eq3A_355, %sub3A_358, %mul3A_352 : vector<16xi1>, vector<16xf32>
        %convert_element_type3A_360 = arith.fptosi %select_n3A_359 : vector<16xf32> to vector<16xi32>
        %min3A_361 = arith.constant 511 : i32
        %min3A_362 = vector.broadcast %min3A_361 : i32 to vector<16xi32>
        %min3A_363 = arith.minsi %convert_element_type3A_360, %min3A_362 : vector<16xi32>
        %jit3A_364 = arith.constant 65537 : i32
        %jit3A_365 = arith.constant 1 : i32
        %broadcast_in_dim3A_366 = vector.broadcast %jit3A_364 : i32 to vector<16xi32>
        %broadcast_in_dim3A_367 = vector.broadcast %jit3A_365 : i32 to vector<16xi32>
        %select_n3A_368 = arith.select %eq3A_355, %broadcast_in_dim3A_366, %broadcast_in_dim3A_367 : vector<16xi1>, vector<16xi32>
        %add3A_369 = arith.constant 4096 : i32
        %add3A_370 = vector.broadcast %add3A_369 : i32 to vector<16xi32>
        %add3A_371 = arith.addi %min3A_363, %add3A_370 : vector<16xi32>
        tpu.vector_store_idx %arg11[%add3A_371], %select_n3A_368 {add = true} : memref<9216xi32, #tpu.memory_space<vmem>>[vector<16xi32>], vector<16xi32>,
        %mul3A_372 = arith.mulf %exp3A_161, %div3A_196 : vector<16xf32>
        %eq3A_373 = arith.constant 9 : i32
        %eq3A_374 = vector.broadcast %eq3A_373 : i32 to vector<16xi32>
        %eq3A_375 = arith.cmpi eq, %get3A_38, %eq3A_374 : vector<16xi32>
        %sub3A_376 = arith.constant 5.120000e+02 : f32
        %sub3A_377 = vector.broadcast %sub3A_376 : f32 to vector<16xf32>
        %sub3A_378 = arith.subf %sub3A_377, %mul3A_372 : vector<16xf32>
        %select_n3A_379 = arith.select %eq3A_375, %sub3A_378, %mul3A_372 : vector<16xi1>, vector<16xf32>
        %convert_element_type3A_380 = arith.fptosi %select_n3A_379 : vector<16xf32> to vector<16xi32>
        %min3A_381 = arith.constant 511 : i32
        %min3A_382 = vector.broadcast %min3A_381 : i32 to vector<16xi32>
        %min3A_383 = arith.minsi %convert_element_type3A_380, %min3A_382 : vector<16xi32>
        %jit3A_384 = arith.constant 65537 : i32
        %jit3A_385 = arith.constant 1 : i32
        %broadcast_in_dim3A_386 = vector.broadcast %jit3A_384 : i32 to vector<16xi32>
        %broadcast_in_dim3A_387 = vector.broadcast %jit3A_385 : i32 to vector<16xi32>
        %select_n3A_388 = arith.select %eq3A_375, %broadcast_in_dim3A_386, %broadcast_in_dim3A_387 : vector<16xi1>, vector<16xi32>
        %add3A_389 = arith.constant 4608 : i32
        %add3A_390 = vector.broadcast %add3A_389 : i32 to vector<16xi32>
        %add3A_391 = arith.addi %min3A_383, %add3A_390 : vector<16xi32>
        tpu.vector_store_idx %arg11[%add3A_391], %select_n3A_388 {add = true} : memref<9216xi32, #tpu.memory_space<vmem>>[vector<16xi32>], vector<16xi32>,
        %mul3A_392 = arith.mulf %exp3A_163, %div3A_196 : vector<16xf32>
        %eq3A_393 = arith.constant 10 : i32
        %eq3A_394 = vector.broadcast %eq3A_393 : i32 to vector<16xi32>
        %eq3A_395 = arith.cmpi eq, %get3A_38, %eq3A_394 : vector<16xi32>
        %sub3A_396 = arith.constant 5.120000e+02 : f32
        %sub3A_397 = vector.broadcast %sub3A_396 : f32 to vector<16xf32>
        %sub3A_398 = arith.subf %sub3A_397, %mul3A_392 : vector<16xf32>
        %select_n3A_399 = arith.select %eq3A_395, %sub3A_398, %mul3A_392 : vector<16xi1>, vector<16xf32>
        %convert_element_type3A_400 = arith.fptosi %select_n3A_399 : vector<16xf32> to vector<16xi32>
        %min3A_401 = arith.constant 511 : i32
        %min3A_402 = vector.broadcast %min3A_401 : i32 to vector<16xi32>
        %min3A_403 = arith.minsi %convert_element_type3A_400, %min3A_402 : vector<16xi32>
        %jit3A_404 = arith.constant 65537 : i32
        %jit3A_405 = arith.constant 1 : i32
        %broadcast_in_dim3A_406 = vector.broadcast %jit3A_404 : i32 to vector<16xi32>
        %broadcast_in_dim3A_407 = vector.broadcast %jit3A_405 : i32 to vector<16xi32>
        %select_n3A_408 = arith.select %eq3A_395, %broadcast_in_dim3A_406, %broadcast_in_dim3A_407 : vector<16xi1>, vector<16xi32>
        %add3A_409 = arith.constant 5120 : i32
        %add3A_410 = vector.broadcast %add3A_409 : i32 to vector<16xi32>
        %add3A_411 = arith.addi %min3A_403, %add3A_410 : vector<16xi32>
        tpu.vector_store_idx %arg11[%add3A_411], %select_n3A_408 {add = true} : memref<9216xi32, #tpu.memory_space<vmem>>[vector<16xi32>], vector<16xi32>,
        %mul3A_412 = arith.mulf %exp3A_165, %div3A_196 : vector<16xf32>
        %eq3A_413 = arith.constant 11 : i32
        %eq3A_414 = vector.broadcast %eq3A_413 : i32 to vector<16xi32>
        %eq3A_415 = arith.cmpi eq, %get3A_38, %eq3A_414 : vector<16xi32>
        %sub3A_416 = arith.constant 5.120000e+02 : f32
        %sub3A_417 = vector.broadcast %sub3A_416 : f32 to vector<16xf32>
        %sub3A_418 = arith.subf %sub3A_417, %mul3A_412 : vector<16xf32>
        %select_n3A_419 = arith.select %eq3A_415, %sub3A_418, %mul3A_412 : vector<16xi1>, vector<16xf32>
        %convert_element_type3A_420 = arith.fptosi %select_n3A_419 : vector<16xf32> to vector<16xi32>
        %min3A_421 = arith.constant 511 : i32
        %min3A_422 = vector.broadcast %min3A_421 : i32 to vector<16xi32>
        %min3A_423 = arith.minsi %convert_element_type3A_420, %min3A_422 : vector<16xi32>
        %jit3A_424 = arith.constant 65537 : i32
        %jit3A_425 = arith.constant 1 : i32
        %broadcast_in_dim3A_426 = vector.broadcast %jit3A_424 : i32 to vector<16xi32>
        %broadcast_in_dim3A_427 = vector.broadcast %jit3A_425 : i32 to vector<16xi32>
        %select_n3A_428 = arith.select %eq3A_415, %broadcast_in_dim3A_426, %broadcast_in_dim3A_427 : vector<16xi1>, vector<16xi32>
        %add3A_429 = arith.constant 5632 : i32
        %add3A_430 = vector.broadcast %add3A_429 : i32 to vector<16xi32>
        %add3A_431 = arith.addi %min3A_423, %add3A_430 : vector<16xi32>
        tpu.vector_store_idx %arg11[%add3A_431], %select_n3A_428 {add = true} : memref<9216xi32, #tpu.memory_space<vmem>>[vector<16xi32>], vector<16xi32>,
        %mul3A_432 = arith.mulf %exp3A_167, %div3A_196 : vector<16xf32>
        %eq3A_433 = arith.constant 12 : i32
        %eq3A_434 = vector.broadcast %eq3A_433 : i32 to vector<16xi32>
        %eq3A_435 = arith.cmpi eq, %get3A_38, %eq3A_434 : vector<16xi32>
        %sub3A_436 = arith.constant 5.120000e+02 : f32
        %sub3A_437 = vector.broadcast %sub3A_436 : f32 to vector<16xf32>
        %sub3A_438 = arith.subf %sub3A_437, %mul3A_432 : vector<16xf32>
        %select_n3A_439 = arith.select %eq3A_435, %sub3A_438, %mul3A_432 : vector<16xi1>, vector<16xf32>
        %convert_element_type3A_440 = arith.fptosi %select_n3A_439 : vector<16xf32> to vector<16xi32>
        %min3A_441 = arith.constant 511 : i32
        %min3A_442 = vector.broadcast %min3A_441 : i32 to vector<16xi32>
        %min3A_443 = arith.minsi %convert_element_type3A_440, %min3A_442 : vector<16xi32>
        %jit3A_444 = arith.constant 65537 : i32
        %jit3A_445 = arith.constant 1 : i32
        %broadcast_in_dim3A_446 = vector.broadcast %jit3A_444 : i32 to vector<16xi32>
        %broadcast_in_dim3A_447 = vector.broadcast %jit3A_445 : i32 to vector<16xi32>
        %select_n3A_448 = arith.select %eq3A_435, %broadcast_in_dim3A_446, %broadcast_in_dim3A_447 : vector<16xi1>, vector<16xi32>
        %add3A_449 = arith.constant 6144 : i32
        %add3A_450 = vector.broadcast %add3A_449 : i32 to vector<16xi32>
        %add3A_451 = arith.addi %min3A_443, %add3A_450 : vector<16xi32>
        tpu.vector_store_idx %arg11[%add3A_451], %select_n3A_448 {add = true} : memref<9216xi32, #tpu.memory_space<vmem>>[vector<16xi32>], vector<16xi32>,
        %mul3A_452 = arith.mulf %exp3A_169, %div3A_196 : vector<16xf32>
        %eq3A_453 = arith.constant 13 : i32
        %eq3A_454 = vector.broadcast %eq3A_453 : i32 to vector<16xi32>
        %eq3A_455 = arith.cmpi eq, %get3A_38, %eq3A_454 : vector<16xi32>
        %sub3A_456 = arith.constant 5.120000e+02 : f32
        %sub3A_457 = vector.broadcast %sub3A_456 : f32 to vector<16xf32>
        %sub3A_458 = arith.subf %sub3A_457, %mul3A_452 : vector<16xf32>
        %select_n3A_459 = arith.select %eq3A_455, %sub3A_458, %mul3A_452 : vector<16xi1>, vector<16xf32>
        %convert_element_type3A_460 = arith.fptosi %select_n3A_459 : vector<16xf32> to vector<16xi32>
        %min3A_461 = arith.constant 511 : i32
        %min3A_462 = vector.broadcast %min3A_461 : i32 to vector<16xi32>
        %min3A_463 = arith.minsi %convert_element_type3A_460, %min3A_462 : vector<16xi32>
        %jit3A_464 = arith.constant 65537 : i32
        %jit3A_465 = arith.constant 1 : i32
        %broadcast_in_dim3A_466 = vector.broadcast %jit3A_464 : i32 to vector<16xi32>
        %broadcast_in_dim3A_467 = vector.broadcast %jit3A_465 : i32 to vector<16xi32>
        %select_n3A_468 = arith.select %eq3A_455, %broadcast_in_dim3A_466, %broadcast_in_dim3A_467 : vector<16xi1>, vector<16xi32>
        %add3A_469 = arith.constant 6656 : i32
        %add3A_470 = vector.broadcast %add3A_469 : i32 to vector<16xi32>
        %add3A_471 = arith.addi %min3A_463, %add3A_470 : vector<16xi32>
        tpu.vector_store_idx %arg11[%add3A_471], %select_n3A_468 {add = true} : memref<9216xi32, #tpu.memory_space<vmem>>[vector<16xi32>], vector<16xi32>,
        %mul3A_472 = arith.mulf %exp3A_171, %div3A_196 : vector<16xf32>
        %eq3A_473 = arith.constant 14 : i32
        %eq3A_474 = vector.broadcast %eq3A_473 : i32 to vector<16xi32>
        %eq3A_475 = arith.cmpi eq, %get3A_38, %eq3A_474 : vector<16xi32>
        %sub3A_476 = arith.constant 5.120000e+02 : f32
        %sub3A_477 = vector.broadcast %sub3A_476 : f32 to vector<16xf32>
        %sub3A_478 = arith.subf %sub3A_477, %mul3A_472 : vector<16xf32>
        %select_n3A_479 = arith.select %eq3A_475, %sub3A_478, %mul3A_472 : vector<16xi1>, vector<16xf32>
        %convert_element_type3A_480 = arith.fptosi %select_n3A_479 : vector<16xf32> to vector<16xi32>
        %min3A_481 = arith.constant 511 : i32
        %min3A_482 = vector.broadcast %min3A_481 : i32 to vector<16xi32>
        %min3A_483 = arith.minsi %convert_element_type3A_480, %min3A_482 : vector<16xi32>
        %jit3A_484 = arith.constant 65537 : i32
        %jit3A_485 = arith.constant 1 : i32
        %broadcast_in_dim3A_486 = vector.broadcast %jit3A_484 : i32 to vector<16xi32>
        %broadcast_in_dim3A_487 = vector.broadcast %jit3A_485 : i32 to vector<16xi32>
        %select_n3A_488 = arith.select %eq3A_475, %broadcast_in_dim3A_486, %broadcast_in_dim3A_487 : vector<16xi1>, vector<16xi32>
        %add3A_489 = arith.constant 7168 : i32
        %add3A_490 = vector.broadcast %add3A_489 : i32 to vector<16xi32>
        %add3A_491 = arith.addi %min3A_483, %add3A_490 : vector<16xi32>
        tpu.vector_store_idx %arg11[%add3A_491], %select_n3A_488 {add = true} : memref<9216xi32, #tpu.memory_space<vmem>>[vector<16xi32>], vector<16xi32>,
        %mul3A_492 = arith.mulf %exp3A_173, %div3A_196 : vector<16xf32>
        %eq3A_493 = arith.constant 15 : i32
        %eq3A_494 = vector.broadcast %eq3A_493 : i32 to vector<16xi32>
        %eq3A_495 = arith.cmpi eq, %get3A_38, %eq3A_494 : vector<16xi32>
        %sub3A_496 = arith.constant 5.120000e+02 : f32
        %sub3A_497 = vector.broadcast %sub3A_496 : f32 to vector<16xf32>
        %sub3A_498 = arith.subf %sub3A_497, %mul3A_492 : vector<16xf32>
        %select_n3A_499 = arith.select %eq3A_495, %sub3A_498, %mul3A_492 : vector<16xi1>, vector<16xf32>
        %convert_element_type3A_500 = arith.fptosi %select_n3A_499 : vector<16xf32> to vector<16xi32>
        %min3A_501 = arith.constant 511 : i32
        %min3A_502 = vector.broadcast %min3A_501 : i32 to vector<16xi32>
        %min3A_503 = arith.minsi %convert_element_type3A_500, %min3A_502 : vector<16xi32>
        %jit3A_504 = arith.constant 65537 : i32
        %jit3A_505 = arith.constant 1 : i32
        %broadcast_in_dim3A_506 = vector.broadcast %jit3A_504 : i32 to vector<16xi32>
        %broadcast_in_dim3A_507 = vector.broadcast %jit3A_505 : i32 to vector<16xi32>
        %select_n3A_508 = arith.select %eq3A_495, %broadcast_in_dim3A_506, %broadcast_in_dim3A_507 : vector<16xi1>, vector<16xi32>
        %add3A_509 = arith.constant 7680 : i32
        %add3A_510 = vector.broadcast %add3A_509 : i32 to vector<16xi32>
        %add3A_511 = arith.addi %min3A_503, %add3A_510 : vector<16xi32>
        tpu.vector_store_idx %arg11[%add3A_511], %select_n3A_508 {add = true} : memref<9216xi32, #tpu.memory_space<vmem>>[vector<16xi32>], vector<16xi32>,
        %mul3A_512 = arith.mulf %exp3A_175, %div3A_196 : vector<16xf32>
        %eq3A_513 = arith.constant 16 : i32
        %eq3A_514 = vector.broadcast %eq3A_513 : i32 to vector<16xi32>
        %eq3A_515 = arith.cmpi eq, %get3A_38, %eq3A_514 : vector<16xi32>
        %sub3A_516 = arith.constant 5.120000e+02 : f32
        %sub3A_517 = vector.broadcast %sub3A_516 : f32 to vector<16xf32>
        %sub3A_518 = arith.subf %sub3A_517, %mul3A_512 : vector<16xf32>
        %select_n3A_519 = arith.select %eq3A_515, %sub3A_518, %mul3A_512 : vector<16xi1>, vector<16xf32>
        %convert_element_type3A_520 = arith.fptosi %select_n3A_519 : vector<16xf32> to vector<16xi32>
        %min3A_521 = arith.constant 511 : i32
        %min3A_522 = vector.broadcast %min3A_521 : i32 to vector<16xi32>
        %min3A_523 = arith.minsi %convert_element_type3A_520, %min3A_522 : vector<16xi32>
        %jit3A_524 = arith.constant 65537 : i32
        %jit3A_525 = arith.constant 1 : i32
        %broadcast_in_dim3A_526 = vector.broadcast %jit3A_524 : i32 to vector<16xi32>
        %broadcast_in_dim3A_527 = vector.broadcast %jit3A_525 : i32 to vector<16xi32>
        %select_n3A_528 = arith.select %eq3A_515, %broadcast_in_dim3A_526, %broadcast_in_dim3A_527 : vector<16xi1>, vector<16xi32>
        %add3A_529 = arith.constant 8192 : i32
        %add3A_530 = vector.broadcast %add3A_529 : i32 to vector<16xi32>
        %add3A_531 = arith.addi %min3A_523, %add3A_530 : vector<16xi32>
        tpu.vector_store_idx %arg11[%add3A_531], %select_n3A_528 {add = true} : memref<9216xi32, #tpu.memory_space<vmem>>[vector<16xi32>], vector<16xi32>,
        %mul3A_532 = arith.mulf %exp3A_177, %div3A_196 : vector<16xf32>
        %eq3A_533 = arith.constant 17 : i32
        %eq3A_534 = vector.broadcast %eq3A_533 : i32 to vector<16xi32>
        %eq3A_535 = arith.cmpi eq, %get3A_38, %eq3A_534 : vector<16xi32>
        %sub3A_536 = arith.constant 5.120000e+02 : f32
        %sub3A_537 = vector.broadcast %sub3A_536 : f32 to vector<16xf32>
        %sub3A_538 = arith.subf %sub3A_537, %mul3A_532 : vector<16xf32>
        %select_n3A_539 = arith.select %eq3A_535, %sub3A_538, %mul3A_532 : vector<16xi1>, vector<16xf32>
        %convert_element_type3A_540 = arith.fptosi %select_n3A_539 : vector<16xf32> to vector<16xi32>
        %min3A_541 = arith.constant 511 : i32
        %min3A_542 = vector.broadcast %min3A_541 : i32 to vector<16xi32>
        %min3A_543 = arith.minsi %convert_element_type3A_540, %min3A_542 : vector<16xi32>
        %jit3A_544 = arith.constant 65537 : i32
        %jit3A_545 = arith.constant 1 : i32
        %broadcast_in_dim3A_546 = vector.broadcast %jit3A_544 : i32 to vector<16xi32>
        %broadcast_in_dim3A_547 = vector.broadcast %jit3A_545 : i32 to vector<16xi32>
        %select_n3A_548 = arith.select %eq3A_535, %broadcast_in_dim3A_546, %broadcast_in_dim3A_547 : vector<16xi1>, vector<16xi32>
        %add3A_549 = arith.constant 8704 : i32
        %add3A_550 = vector.broadcast %add3A_549 : i32 to vector<16xi32>
        %add3A_551 = arith.addi %min3A_543, %add3A_550 : vector<16xi32>
        tpu.vector_store_idx %arg11[%add3A_551], %select_n3A_548 {add = true} : memref<9216xi32, #tpu.memory_space<vmem>>[vector<16xi32>], vector<16xi32>,
        %add3A_552 = vector.broadcast %mul3A_35 : i32 to vector<16xi32>
        %add3A_553 = arith.addi %mul3A_3, %add3A_552 : vector<16xi32>
        %add3A_554 = arith.addi %add3A_553, %get3A_38 : vector<16xi32>
        %gather3A_555 = tpu.vector_load_idx %arg7[%add3A_554] : memref<36000xf32, #tpu.memory_space<vmem>>[vector<16xi32>], vector<16xf32>,
        %sub3A_556 = arith.subf %gather3A_555, %max3A_143 : vector<16xf32>
        %mul3A_557 = arith.constant 16 : i32
        %mul3A_558 = arith.muli %scan3A_33, %mul3A_557 : i32
        %swap3A = arith.index_cast %mul3A_558 : i32 to index
        %swap3A_559 = tpu.vector_load %arg9[%swap3A] {strides = array<i32>} : memref<2000xf32, #tpu.memory_space<vmem>>, vector<16xf32>,
        tpu.vector_store %arg9[%swap3A], %sub3A_556 {strides = array<i32>} : memref<2000xf32, #tpu.memory_space<vmem>>, vector<16xf32>,
        %mul3A_560 = arith.constant 16 : i32
        %mul3A_561 = arith.muli %scan3A_33, %mul3A_560 : i32
        %swap3A_562 = arith.index_cast %mul3A_561 : i32 to index
        %swap3A_563 = tpu.vector_load %arg10[%swap3A_562] {strides = array<i32>} : memref<2000xf32, #tpu.memory_space<vmem>>, vector<16xf32>,
        tpu.vector_store %arg10[%swap3A_562], %add3A_194 {strides = array<i32>} : memref<2000xf32, #tpu.memory_space<vmem>>, vector<16xf32>,
      }
      %scan3A_30 = arith.constant 125 : i32
      %multiple_of3A_31 = tpu.assume_multiple %add3A_21, 8 : i32
      "tpu.region"() ({
        %run_scoped3A = tpu.sem_alloc : memref<!tpu.dma_semaphore, #tpu.memory_space<semaphore_mem>>
        %dma_start3A = tpu.memref_slice %arg5[%multiple_of3A_31] : memref<640000xf32, #tpu.memory_space<hbm>> -> memref<2000xf32, #tpu.memory_space<hbm>>
        %dma_start3A_33 = tpu.memref_slice %arg5[%multiple_of3A_31] : memref<640000xf32, #tpu.memory_space<hbm>> -> memref<2000xf32, #tpu.memory_space<hbm>>
        tpu.enqueue_dma source(%arg9 : memref<2000xf32, #tpu.memory_space<vmem>>) target(%dma_start3A_33 : memref<2000xf32, #tpu.memory_space<hbm>>) target_semaphore(%run_scoped3A : memref<!tpu.dma_semaphore, #tpu.memory_space<semaphore_mem>>)
        %dma_wait3A = tpu.memref_slice %arg5[%multiple_of3A_31] : memref<640000xf32, #tpu.memory_space<hbm>> -> memref<2000xf32, #tpu.memory_space<hbm>>
        %dma_wait3A_34 = tpu.memref_slice %arg5[%multiple_of3A_31] : memref<640000xf32, #tpu.memory_space<hbm>> -> memref<2000xf32, #tpu.memory_space<hbm>>
        tpu.wait_dma2 semaphore(%run_scoped3A : memref<!tpu.dma_semaphore, #tpu.memory_space<semaphore_mem>>) src(%arg9 : memref<2000xf32, #tpu.memory_space<vmem>>) dst(%dma_wait3A_34 : memref<2000xf32, #tpu.memory_space<hbm>>)
        tpu.yield
      }) : () -> ()
      %multiple_of3A_32 = tpu.assume_multiple %add3A_21, 8 : i32
      "tpu.region"() ({
        %run_scoped3A = tpu.sem_alloc : memref<!tpu.dma_semaphore, #tpu.memory_space<semaphore_mem>>
        %dma_start3A = tpu.memref_slice %arg6[%multiple_of3A_32] : memref<640000xf32, #tpu.memory_space<hbm>> -> memref<2000xf32, #tpu.memory_space<hbm>>
        %dma_start3A_33 = tpu.memref_slice %arg6[%multiple_of3A_32] : memref<640000xf32, #tpu.memory_space<hbm>> -> memref<2000xf32, #tpu.memory_space<hbm>>
        tpu.enqueue_dma source(%arg10 : memref<2000xf32, #tpu.memory_space<vmem>>) target(%dma_start3A_33 : memref<2000xf32, #tpu.memory_space<hbm>>) target_semaphore(%run_scoped3A : memref<!tpu.dma_semaphore, #tpu.memory_space<semaphore_mem>>)
        %dma_wait3A = tpu.memref_slice %arg6[%multiple_of3A_32] : memref<640000xf32, #tpu.memory_space<hbm>> -> memref<2000xf32, #tpu.memory_space<hbm>>
        %dma_wait3A_34 = tpu.memref_slice %arg6[%multiple_of3A_32] : memref<640000xf32, #tpu.memory_space<hbm>> -> memref<2000xf32, #tpu.memory_space<hbm>>
        tpu.wait_dma2 semaphore(%run_scoped3A : memref<!tpu.dma_semaphore, #tpu.memory_space<semaphore_mem>>) src(%arg10 : memref<2000xf32, #tpu.memory_space<vmem>>) dst(%dma_wait3A_34 : memref<2000xf32, #tpu.memory_space<hbm>>)
        tpu.yield
      }) : () -> ()
    }
    %scan3A_15 = arith.constant 10 : i32
    "tpu.region"() ({
      %run_scoped3A = tpu.sem_alloc : memref<!tpu.dma_semaphore, #tpu.memory_space<semaphore_mem>>
      %dma_start3A = arith.constant 0 : i32
      %dma_start3A_16 = tpu.memref_slice %arg4[%add3A, %dma_start3A] : memref<32x9216xi32, #tpu.memory_space<hbm>> -> memref<1x9216xi32, #tpu.memory_space<hbm>>
      %dma_start3A_17 = tpu.memref_squeeze %dma_start3A_16 : memref<1x9216xi32, #tpu.memory_space<hbm>> -> memref<9216xi32, #tpu.memory_space<hbm>>
      %dma_start3A_18 = arith.constant 0 : i32
      %dma_start3A_19 = tpu.memref_slice %arg4[%add3A, %dma_start3A_18] : memref<32x9216xi32, #tpu.memory_space<hbm>> -> memref<1x9216xi32, #tpu.memory_space<hbm>>
      %dma_start3A_20 = tpu.memref_squeeze %dma_start3A_19 : memref<1x9216xi32, #tpu.memory_space<hbm>> -> memref<9216xi32, #tpu.memory_space<hbm>>
      tpu.enqueue_dma source(%arg11 : memref<9216xi32, #tpu.memory_space<vmem>>) target(%dma_start3A_20 : memref<9216xi32, #tpu.memory_space<hbm>>) target_semaphore(%run_scoped3A : memref<!tpu.dma_semaphore, #tpu.memory_space<semaphore_mem>>)
      %dma_wait3A = arith.constant 0 : i32
      %dma_wait3A_21 = tpu.memref_slice %arg4[%add3A, %dma_wait3A] : memref<32x9216xi32, #tpu.memory_space<hbm>> -> memref<1x9216xi32, #tpu.memory_space<hbm>>
      %dma_wait3A_22 = tpu.memref_squeeze %dma_wait3A_21 : memref<1x9216xi32, #tpu.memory_space<hbm>> -> memref<9216xi32, #tpu.memory_space<hbm>>
      %dma_wait3A_23 = arith.constant 0 : i32
      %dma_wait3A_24 = tpu.memref_slice %arg4[%add3A, %dma_wait3A_23] : memref<32x9216xi32, #tpu.memory_space<hbm>> -> memref<1x9216xi32, #tpu.memory_space<hbm>>
      %dma_wait3A_25 = tpu.memref_squeeze %dma_wait3A_24 : memref<1x9216xi32, #tpu.memory_space<hbm>> -> memref<9216xi32, #tpu.memory_space<hbm>>
      tpu.wait_dma2 semaphore(%run_scoped3A : memref<!tpu.dma_semaphore, #tpu.memory_space<semaphore_mem>>) src(%arg11 : memref<9216xi32, #tpu.memory_space<vmem>>) dst(%dma_wait3A_25 : memref<9216xi32, #tpu.memory_space<hbm>>)
      tpu.yield
    }) : () -> ()
    return
  }
}

</mosaic_0001>

<sc_bundles>
// kernel: _sc_stage.3.cloned.1.call-start
scs
__scs_entry_jumppad:
0x0: {  	(pc) =	sbr.rel $0x88, $3  }
0x1: {  	(tag) =	ssettag $0x0;
	lr =	simm.s32 $0x1  }
0x2: {  	[smem:$0x3F9F] =	sst lr;
	_ =	strace $0xD0000000  }
0x3: {  	_ = 	snop  }
0x4: {  	_ = 	snop  }
0x5: {  	_ = 	snop  }
0x6: {  	_ = 	snop  }
0x7: {  	_ = 	snop  }
__scs_overlays_trampoline_lowered:
0x8: {  	[smem:$0x3FAE] =	sst s0  }
0x9: {  	[smem:$0x3FAF] =	sst s1  }
0xa: {  	[smem:$0x3FB0] =	sst s2  }
0xb: {  	[smem:$0x3FB1] =	sst s3  }
0xc: {  	[smem:$0x3FB2] =	sst s4  }
0xd: {  	[smem:$0x3FB3] =	sst s5  }
0xe: {  	[smem:$0x3FB4] =	sst s6  }
0xf: {  	[smem:$0x3FB5] =	sst s7  }
0x10: {  	[smem:$0x3FB6] =	sst s8  }
0x11: {  	[smem:$0x3FB7] =	sst s9;
	s0 =	simm.s32 @!p0 $0x0  }
0x12: {  	s1 =	sld [smem:$0x3F9D];
	s0 =	simm.s32 @p0 $0x1  }
0x13: {  	[smem:$0x3FB8] =	sst s0;
	s0 =	simm.s32 @!p1 $0x0  }
0x14: {  	s2 =	sld [smem:$0x3F9C];
	s0 =	simm.s32 @p1 $0x1  }
0x15: {  	[smem:$0x3FB9] =	sst s0;
	s0 =	simm.s32 @!p2 $0x0  }
0x16: {  	s3 =	sld [smem:$0x3FDB];
	s0 =	simm.s32 @p2 $0x1  }
0x17: {  	s4 =	simm.s32 $0x1BF5;
	[smem:$0x3FBB] =	sst s0  }
0x18: {  	s0 =	sld [smem:$0x3F9E];
	_ =	swait.ge [sflag:s4], $0x0  }
0x19: {  	s7 =	sld [smem:$0x3F9F]  }
0x1a: {  	s8 =	sadd.s32 $0xFFFFE003, lr  }
0x1b: {  	s9 =	sadd.s32 $0xFFFFFEF7, lr;
	s5 =	simm.s32 $0xFFFFFFFF;
	p2 =	slt.u32 s8, $0xFFFFF086  }
0x1c: {  	p1 =	slt.u32 s9, $0xF7A;
	s5 =	simm.s32 @!p2 $0x0  }
0x1d: {  	s5 =	simm.s32 @p1 $0x1;
	p0 =	seq.s32 s7, s2  }
0x1e: {  	s7 =	smul.u32 @!p0 $0xF7A, s2;
	p2 =	seq.s32 @!p0 s5, $0x0  }
0x1f: {  	s9 =	smul.u32 $0xF7A, s1;
	s8 =	simm.s32 @!p0 $0x1BF5;
	p2 =	por !p2, p0  }
0x20: {  	[sflag:s8] =	ssyncset.s32 @!p0 $0xFFFFF086;
	s6 =	sadd.s32 @!p0 s3, s7;
	s7 =	simm.s32 @!p0 $0x108  }
0x21: {  	s3 =	sadd.s32 s3, s9;
	s6 =	sadd.s32 @!p0 $0x88, s6;
	s7 =	simm.s32 @p2 $0x1082  }
0x22: {  	[simem:s7], [sflag:s8] =	dma.local @!p0 [hbm:s6], $0xF7A  }
0x23: {  	s9 =	sor.u32 $0xD0000000, s2;
	s6 =	simm.s32 $0x108;
	_ =	swait.ge @!p0 [sflag:s8], $0x0  }
0x24: {  	s3 =	sadd.s32 $0x88, s3;
	s6 =	simm.s32 @!p1 $0x1082;
	[sflag:s4] =	ssyncset.s32 $0xFFFFF086  }
0x25: {  	[simem:s6], [sflag:s4] =	dma.local [hbm:s3], $0xF7A  }
0x26: {  	[smem:$0x3F9F] =	sst s1;
	(tag) =	ssettag s2;
	_ =	strace s9  }
0x27: {  	s1 =	sld [smem:$0x3FAF]  }
0x28: {  	s2 =	sld [smem:$0x3FB0]  }
0x29: {  	s4 =	sld [smem:$0x3FB2]  }
0x2a: {  	p0 =	seq.s32 s5, $0x0;
	s5 =	sld [smem:$0x3FB3]  }
0x2b: {  	s6 =	sld [smem:$0x3FB4]  }
0x2c: {  	s7 =	sld [smem:$0x3FB5]  }
0x2d: {  	s3 =	simm.s32 $0x108;
	s8 =	sld [smem:$0x3FB6]  }
0x2e: {  	s3 =	simm.s32 @!p0 $0x1082;
	s9 =	sld [smem:$0x3FB7]  }
0x2f: {  	lr =	sadd.s32 s0, s3;
	s0 =	sld [smem:$0x3FAE]  }
0x30: {  	s3 =	sld [smem:$0x3FB1]  }
0x31: {  	[smem:$0x3FBA] =	sst s10  }
0x32: {  	s10 =	sld [smem:$0x3FB8];
	_ =	sdelay $0x3  }
0x33: {  	p0 =	seq.s32 s10, $0x1;
	s10 =	sld [smem:$0x3FBA];
	_ =	sdelay $0x3  }
0x34: {  	[smem:$0x3FBA] =	sst s10  }
0x35: {  	s10 =	sld [smem:$0x3FB9];
	_ =	sdelay $0x3  }
0x36: {  	p1 =	seq.s32 s10, $0x1;
	s10 =	sld [smem:$0x3FBA];
	_ =	sdelay $0x3  }
0x37: {  	[smem:$0x3FBA] =	sst s10  }
0x38: {  	s10 =	sld [smem:$0x3FBB]  }
0x39: {  	_ = 	snop;
	(pc) =	sbr.ind lr, $3  }
0x3a: {  	_ = 	snop  }
0x3b: {  	_ = 	snop  }
0x3c: {  	p2 =	seq.s32 s10, $0x1;
	s10 =	sld [smem:$0x3FBA]  }
0x3d: {  	_ =	shalt  }
0x3e: {  	_ =	shalt  }
0x3f: {  	_ =	shalt  }
0x40: {  	_ =	shalt  }
0x41: {  	_ =	shalt  }
0x42: {  	_ =	shalt  }
0x43: {  	_ =	shalt  }
0x44: {  	_ =	shalt  }
0x45: {  	_ =	shalt  }
0x46: {  	_ =	shalt  }
0x47: {  	_ =	shalt  }
0x48: {  	_ =	shalt  }
0x49: {  	_ =	shalt  }
0x4a: {  	_ =	shalt  }
0x4b: {  	_ =	shalt  }
0x4c: {  	_ =	shalt  }
0x4d: {  	_ =	shalt  }
0x4e: {  	_ =	shalt  }
0x4f: {  	_ =	shalt  }
0x50: {  	_ =	shalt  }
0x51: {  	_ =	shalt  }
0x52: {  	_ =	shalt  }
0x53: {  	_ =	shalt  }
0x54: {  	_ =	shalt  }
0x55: {  	_ =	shalt  }
0x56: {  	_ =	shalt  }
0x57: {  	_ =	shalt  }
0x58: {  	_ =	shalt  }
0x59: {  	_ =	shalt  }
0x5a: {  	_ =	shalt  }
0x5b: {  	_ =	shalt  }
0x5c: {  	_ =	shalt  }
0x5d: {  	_ =	shalt  }
0x5e: {  	_ =	shalt  }
0x5f: {  	_ =	shalt  }
0x60: {  	_ =	shalt  }
0x61: {  	_ =	shalt  }
0x62: {  	_ =	shalt  }
0x63: {  	_ =	shalt  }
0x64: {  	_ =	shalt  }
0x65: {  	_ =	shalt  }
0x66: {  	_ =	shalt  }
0x67: {  	_ =	shalt  }
0x68: {  	_ =	shalt  }
0x69: {  	_ =	shalt  }
0x6a: {  	_ =	shalt  }
0x6b: {  	_ =	shalt  }
0x6c: {  	_ =	shalt  }
0x6d: {  	_ =	shalt  }
0x6e: {  	_ =	shalt  }
0x6f: {  	_ =	shalt  }
0x70: {  	_ =	shalt  }
0x71: {  	_ =	shalt  }
0x72: {  	_ =	shalt  }
0x73: {  	_ =	shalt  }
0x74: {  	_ =	shalt  }
0x75: {  	_ =	shalt  }
0x76: {  	_ =	shalt  }
0x77: {  	_ =	shalt  }
0x78: {  	_ =	shalt  }
0x79: {  	_ =	shalt  }
0x7a: {  	_ =	shalt  }
0x7b: {  	_ =	shalt  }
0x7c: {  	_ =	shalt  }
0x7d: {  	_ =	shalt  }
0x7e: {  	_ =	shalt  }
0x7f: {  	_ =	shalt  }
0x80: {  	_ =	shalt  }
0x81: {  	_ =	shalt  }
0x82: {  	_ =	shalt  }
0x83: {  	_ =	shalt  }
0x84: {  	_ =	shalt  }
0x85: {  	_ =	shalt  }
0x86: {  	_ =	shalt  }
0x87: {  	_ =	shalt  }
.Lfunc_end0:
.L_simem_size_0:
called_computation_lowered:
.L_overlay_start_0:
0x88: {  	s2 =	sld [smem:$0x3FD9]  }
0x89: {  	s3 =	sld [smem:$0x3FFE];
	_ =	sdelay $0x1  }
0x8a: {  	s1 =	srdreg.scid  }
0x8b: {  	s0 =	sand.u32 $0x1, s1  }
0x8c: {  	s15 =	sshll.u32 s0, $0xA;
	s2 =	sadd.s32 s3, s2  }
0x8d: {  	s2 =	sadd.s32 s2, s15  }
0x8e: {  	[smem:$0x3FC6] =	sst s2  }
0x8f: {  	_ = 	snop  }
0x90: {  	s2 =	sld [smem:$0x3FD0];
	_ =	sdelay $0x1  }
0x91: {  	s16 =	sld [smem:$0x3FC9]  }
0x92: {  	s5 =	simm.s32 $0xA;
	s6 =	simm.s32 $0x10;
	s4 =	sld [smem:$0x3FC8]  }
0x93: {  	[smem:s6], [sflag:s5] =	dma.local [hbm:s2], $0x1  }
0x94: {  	_ =	swait.eq [sflag:s5], $0x1  }
0x95: {  	s17 =	sld [smem:$0x10];
	[sflag:s5] =	ssyncset.done $0x0  }
0x96: {  	s18 =	sld [smem:$0x11];
	[sflag:s5] =	ssyncadd.s32 $0xFFFFFFFF  }
0x97: {  	s19 =	sld [smem:$0x12];
	(tm) =	ssettm $0x1  }
0x98: {  	s7 =	sld [smem:$0x3FFB];
	_ =	sdelay $0x3  }
0x99: {  	_ =	strace s7  }
0x9a: {  	s7 =	sld [smem:$0x3FFC];
	_ =	sdelay $0x3  }
0x9b: {  	_ =	strace s7  }
0x9c: {  	s7 =	sld [smem:$0x3FFD];
	_ =	sdelay $0x3  }
0x9d: {  	_ =	strace s7  }
0x9e: {  	_ =	strace $0x8FFFFFFF  }
0x9f: {  	s20 =	sld [smem:$0x3FDB];
	_ =	sdelay $0x1  }
0xa0: {  	s8 =	simm.s32 $_scs_section_size  }
0xa1: {  	s9 =	simm.s32 $_size__tile_overlayer_lowered;
	s10 =	simm.s32 $_tile_overlayer_lowered  }
0xa2: {  	s23 =	simm.s32 $0x1BFF;
	s22 =	sshll.u32 s10, $0x1;
	s7 =	sadd.s32 s8, s20  }
0xa3: {  	s11 =	simm.s32 $0x0;
	s21 =	sshll.u32 s9, $0x1;
	s9 =	sadd.s32 s22, s7  }
0xa4: {  	[timem:s11], [sflag:s23] =	dma.local [hbm:s9], s21  }
0xa5: {  	_ =	swait.ge [sflag:s23], s21  }
0xa6: {  	s8 =	ssub.s32 $0x0, s21;
	[sflag:s23] =	ssyncset.done $0x0  }
0xa7: {  	[sflag:s23] =	ssyncadd.s32 s8;
	_ =	sdelay $0x1  }
0xa8: {  	s24 =	simm.s32 $0x1B8B  }
0xa9: {  	_ =	swait.ge [sflag:s24], $0x1  }
0xaa: {  	[sflag:s24] =	ssyncset.done $0x0  }
0xab: {  	s25 =	simm.s32 $0x1B8E;
	[sflag:s24] =	ssyncadd.s32 $0xFFFFFFFF  }
0xac: {  	s26 =	simm.s32 $execute0_lowered;
	[smem:$0x3FD2] =	sst s25  }
0xad: {  	s8 =	sshll.u32 s26, $0x1;
	_ =	strace $0x80000046;
	[dreg:$0x1] =	wrdreg $0xFFFFFFFF  }
0xae: {  	s28 =	simm.s32 $_size_execute0_lowered;
	s7 =	sadd.s32 s7, s8;
	[dreg:$0x0] =	wrdreg $0x0  }
0xaf: {  	s8 =	sshll.u32 s28, $0x1;
	[dreg:$0x2] =	wrdreg s7  }
0xb0: {  	[dreg:$0x3] =	wrdreg s8  }
0xb1: {  	[dreg:$0x4] =	wrdreg $0xC0  }
0xb2: {  	_ =	task [dreg:s11], $0x5FFFF  }
0xb3: {  	[dreg:$0x1] =	wrdreg $0xFFFFFFFF  }
0xb4: {  	[dreg:$0x0] =	wrdreg $0x60  }
0xb5: {  	[dreg:$0x2] =	wrdreg s16  }
0xb6: {  	[dreg:$0x3] =	wrdreg s4  }
0xb7: {  	[dreg:$0x4] =	wrdreg s17  }
0xb8: {  	[dreg:$0x5] =	wrdreg s18  }
0xb9: {  	[dreg:$0x6] =	wrdreg s19  }
0xba: {  	[dreg:$0x7] =	wrdreg $0x9  }
0xbb: {  	_ =	task.clear_ibuf [dreg:s11], $0x8FFFF;
	_ =	strace $0x90000046  }
0xbc: {  	s29 =	simm.s32 $0x9;
	_ =	strace $0x80000048  }
0xbd: {  	_ =	swait.ge [sflag:s29], $0x1  }
0xbe: {  	[sflag:s29] =	ssyncadd.s32 $0xFFFFFFFF  }
0xbf: {  	_ =	strace $0x90000048  }
0xc0: {  	_ =	sfence  }
0xc1: {  	s30 =	sld [smem:$0x0];
	_ =	sdelay $0x2  }
0xc2: {  	s31 =	sshll.u32 s1, $0xD;
	s1 =	sshrl.u32 s1, $0x2  }
0xc3: {  	s3 =	sand.u32 $0x4000, s31;
	s1 =	sadd.s32 s1, s30  }
0xc4: {  	s0 =	sor.u32 s3, s0;
	s1 =	sshll.u32 s1, $0x11  }
0xc5: {  	s0 =	sor.u32 s1, s0  }
0xc6: {  	s0 =	sadd.s32 $0x8F2B, s0  }
0xc7: {  	[sflag:s0] =	ssyncadd.remote.s32 $0x1  }
0xc8: {  	_ =	sfence.sel $0xFFFF  }
0xc9: {  	[dreg:$0x0] =	wrdreg $0xFFFFFFFF;
	(pc) =	sbr.abs _section_cstart, $3  }
0xca: {  	[dreg:$0x1] =	wrdreg $0xFFFFFFFF  }
0xcb: {  	_ =	task.clear_ibuf [dreg:s11], $0x2FFFF;
	_ =	strace $0x9FFFFFFF  }
0xcc: {  	(tm) =	ssettm $0x7FFFFFFF  }
0xcd: {  	_ =	shalt  }
tec
execute0_lowered:
.L_overlay_start_1:
0x0: {  	(tag) =	ssettag $0x1  }
0x1: {  	s0 =	rddreg [dreg:$0x0]  }
0x2: {  	s2 =	rddreg [dreg:$0x1]  }
0x3: {  	s8 =	rddreg [dreg:$0x2]  }
0x4: {  	s4 =	rddreg [dreg:$0x3]  }
0x5: {  	s3 =	srdreg.scid;
	s1 =	stileid.u32  }
0x6: {  	s5 =	rddreg [dreg:$0x4];
	s13 =	simm.s32 $0x9D00;
	s14 =	simm.s32 $0x80  }
0x7: {  	s15 =	simm.s32 $0x400;
	s16 =	simm.s32 $0x0;
	s7 =	sand.u32 $0x1, s3  }
0x8: {  	s6 =	sshll.u32 s1, $0x1;
	s3 =	rddreg [dreg:$0x5];
	s10 =	sshrl.u32 s1, $0x2  }
0x9: {  	s9 =	sor.u32 s7, s6;
	s6 =	simm.s32 $0x0;
	s10 =	smul.u32 $0x12000, s10  }
0xa: {  	s7 =	ssub.s32 $0x2, s7;
	s11 =	sshll.u32 s9, $0x7;
	[smem:$0x7FF] =	sst s6  }
0xb: {  	s12 =	sshrl.u32 s7, $0x1;
	s11 =	sand.u32 $0x380, s11;
	_ =	strace $0x80000047  }
0xc: {  	s30 =	ssub.s32 s7, s12;
	s7 =	smul.u32 $0x4E20, s9;
	s10 =	sor.u32 s10, s11  }
0xd: {  	v1 =	vlaneseq.u32;
	s12 =	simm.s32 $0x9500;
	s9 =	smax.u32 s30, $0x1;
	s31 =	sshrl.u32 s10, $0x3  }
0xe: {  	v0 =	vimm.s32 $0x0;
	v2 =	vimm.s32 $0x1;
	v1 =	vmul.u32 $0x12, v1;
	s11 =	simm.s32 $0xA500;
	s10 =	simm.s32 $0x1;
	s8 =	sadd.s32 s8, s31  }
.LBB2_1:
0xf: {  	s17 =	simm.s32 $0x0  }
.LBB2_2:
0x10: {  	p0 =	sne.s32 s17, $0x8FC0  }
.Ltmp0:
0x11: {  	_ = 	snop;
	(pc) =	sbr.rel @p0 .LBB2_2-.Ltmp0, $3  }
0x12: {  	_ =	sdelay $0x1  }
0x13: {  	s18 =	sshra.s32 s17, $0x2  }
0x14: {  	s17 =	sadd.s32 $0x40, s17;
	[tilespmem:s18+$0xA500] =	vst v0  }
0x15: {  	s17 =	simm.s32 $0x0  }
.LBB2_4:
0x16: {  	s18 =	smul.u32 $0x7D0, s17;
	_ =	sdelay $0x1  }
0x17: {  	s18 =	sadd.s32 s7, s18  }
0x18: {  	s19 =	smul.u32 $0x12, s18;
	_ =	sdelay $0x1  }
0x19: {  	s19 =	sshrl.u32 s19, $0x3  }
0x1a: {  	s19 =	sadd.s32 s0, s19  }
0x1b: {  	[tilespmem:s6], [sflag:$0x1] =	stream.linear.gather [hbm4b:s19+s6], $0x8CA0, $0x38;
	[tilespmem:$0xC900] =	vst v63  }
0x1c: {  	_ =	swait.ge [sflag:s10], $0x8CA0  }
0x1d: {  	s18 =	sshrl.u32 s18, $0x3;
	[sflag:s10] =	ssyncset.done $0x0  }
0x1e: {  	s20 =	sadd.s32 s2, s18;
	s19 =	simm.s32 $0x8D00;
	[sflag:s10] =	ssyncadd.s32 $0xFFFF7360  }
0x1f: {  	[tilespmem:s19], [sflag:$0x1] =	stream.linear.gather [hbm4b:s20+s6], $0x7D0, $0x38;
	[tilespmem:$0xC900] =	vst v63  }
0x20: {  	_ =	swait.ge [sflag:s10], $0x7D0  }
0x21: {  	s21 =	simm.s32 $0x9500;
	[sflag:s10] =	ssyncset.done $0x0  }
0x22: {  	s22 =	simm.s32 $0x9D00;
	s20 =	simm.s32 $0x11;
	[sflag:s10] =	ssyncadd.s32 $0xFFFFF830  }
.LBB2_5:
0x23: {  	s23 =	sadd.s32 $0xFFFFFFEF, s20  }
0x24: {  	s30 =	sadd.s32 $0xFFFFFFF0, s20;
	v3 =	vadd.s32 s23, v1  }
0x25: {  	s31 =	sadd.s32 $0xFFFFFFF1, s20;
	v4 =	vadd.s32 s30, v1  }
0x26: {  	s24 =	sadd.s32 $0xFFFFFFF2, s20;
	v5 =	vadd.s32 s31, v1  }
0x27: {  	s25 =	sadd.s32 $0xFFFFFFF3, s20;
	v6 =	vadd.s32 s24, v1  }
0x28: {  	s26 =	sadd.s32 $0xFFFFFFF4, s20;
	v7 =	vadd.s32 s25, v1  }
0x29: {  	s28 =	sadd.s32 $0xFFFFFFF5, s20;
	v9 =	vadd.s32 s26, v1;
	v8 =	vld.idx.msk [tilespmem:v3+s6+$0x0], $0xffff  }
0x2a: {  	s29 =	sadd.s32 $0xFFFFFFF6, s20;
	v57 =	vadd.s32 s28, v1;
	v10 =	vld.idx.msk [tilespmem:v4+s6+$0x0], $0xffff  }
0x2b: {  	v11 =	vadd.s32 s29, v1;
	s30 =	sadd.s32 $0xFFFFFFF7, s20;
	v5 =	vld.idx.msk [tilespmem:v5+s6+$0x0], $0xffff  }
0x2c: {  	s31 =	sadd.s32 $0xFFFFFFF8, s20;
	v12 =	vadd.s32 s30, v1;
	v6 =	vld.idx.msk [tilespmem:v6+s6+$0x0], $0xffff  }
0x2d: {  	s24 =	sadd.s32 $0xFFFFFFF9, s20;
	v13 =	vadd.s32 s31, v1;
	v7 =	vld.idx.msk [tilespmem:v7+s6+$0x0], $0xffff  }
0x2e: {  	s25 =	sadd.s32 $0xFFFFFFFA, s20;
	v14 =	vadd.s32 s24, v1;
	v9 =	vld.idx.msk [tilespmem:v9+s6+$0x0], $0xffff  }
0x2f: {  	s26 =	sadd.s32 $0xFFFFFFFB, s20;
	v58 =	vadd.s32 s25, v1;
	v15 =	vld.idx.msk [tilespmem:v57+s6+$0x0], $0xffff;
	v16 =	vmax.f32 v8, v10  }
0x30: {  	s28 =	sadd.s32 $0xFFFFFFFC, s20;
	v17 =	vadd.s32 s26, v1;
	v11 =	vld.idx.msk [tilespmem:v11+s6+$0x0], $0xffff;
	v16 =	vmax.f32 v16, v5  }
0x31: {  	s29 =	sadd.s32 $0xFFFFFFFD, s20;
	v18 =	vadd.s32 s28, v1;
	v12 =	vld.idx.msk [tilespmem:v12+s6+$0x0], $0xffff;
	v16 =	vmax.f32 v16, v6  }
0x32: {  	v19 =	vadd.s32 s29, v1;
	s30 =	sadd.s32 $0xFFFFFFFE, s20;
	v13 =	vld.idx.msk [tilespmem:v13+s6+$0x0], $0xffff;
	v16 =	vmax.f32 v16, v7  }
0x33: {  	s31 =	sadd.s32 $0xFFFFFFFF, s20;
	v20 =	vadd.s32 s30, v1;
	v14 =	vld.idx.msk [tilespmem:v14+s6+$0x0], $0xffff;
	v16 =	vmax.f32 v16, v9  }
0x34: {  	v59 =	vadd.s32 s31, v1;
	v21 =	vld.idx.msk [tilespmem:v58+s6+$0x0], $0xffff;
	v16 =	vmax.f32 v16, v15  }
0x35: {  	v22 =	vadd.s32 s20, v1;
	v17 =	vld.idx.msk [tilespmem:v17+s6+$0x0], $0xffff;
	v16 =	vmax.f32 v16, v11  }
0x36: {  	v18 =	vld.idx.msk [tilespmem:v18+s6+$0x0], $0xffff;
	v16 =	vmax.f32 v16, v12  }
0x37: {  	v19 =	vld.idx.msk [tilespmem:v19+s6+$0x0], $0xffff;
	v16 =	vmax.f32 v16, v13  }
0x38: {  	v20 =	vld.idx.msk [tilespmem:v20+s6+$0x0], $0xffff;
	v16 =	vmax.f32 v16, v14  }
0x39: {  	v23 =	vld.idx.msk [tilespmem:v59+s6+$0x0], $0xffff;
	v60 =	vmax.f32 v16, v21  }
0x3a: {  	v61 =	vld.idx.msk [tilespmem:v22+s6+$0x0], $0xffff;
	v4 =	vmax.f32 v60, v17  }
0x3b: {  	v4 =	vmax.f32 v4, v18  }
0x3c: {  	v4 =	vmax.f32 v4, v19  }
0x3d: {  	v4 =	vmax.f32 v4, v20  }
0x3e: {  	v4 =	vmax.f32 v4, v23  }
0x3f: {  	v4 =	vmax.f32 v4, v61  }
0x40: {  	v8 =	vsub.f32 v8, v4  }
0x41: {  	v10 =	vsub.f32 v10, v4  }
0x42: {  	v8 =	vmul.f32 $1.442695020e+00, v8  }
0x43: {  	v5 =	vsub.f32 v5, v4;
	v10 =	vmul.f32 $1.442695020e+00, v10  }
0x44: {  	(erf) = vpow2.f32 v8  }
0x45: {  	v6 =	vsub.f32 v6, v4;
	v5 =	vmul.f32 $1.442695020e+00, v5;
	(erf) = vpow2.f32 v10;
	_ =	sdelay $0x1  }
0x46: {  	v63 =	vsub.f32 v7, v4;
	v62 =	vmul.f32 $1.442695020e+00, v6;
	(erf) = vpow2.f32 v5;
	_ =	sdelay $0x1  }
0x47: {  	v22 =	vsub.f32 v9, v4;
	v10 =	vmul.f32 $1.442695020e+00, v63;
	(erf) = vpow2.f32 v62;
	_ =	sdelay $0x1  }
0x48: {  	v24 =	vsub.f32 v15, v4;
	v25 =	vmul.f32 $1.442695020e+00, v22;
	(erf) = vpow2.f32 v10;
	_ =	sdelay $0x1  }
0x49: {  	v27 =	vsub.f32 v11, v4;
	v26 =	vmul.f32 $1.442695020e+00, v24;
	v15 =	vpop (erf);
	(erf) = vpow2.f32 v25  }
0x4a: {  	v28 =	vsub.f32 v12, v4;
	v11 =	vpop (erf)  }
0x4b: {  	v5 =	vmul.f32 $1.442695020e+00, v27;
	(erf) = vpow2.f32 v26;
	v29 =	vadd.f32 v11, v15  }
0x4c: {  	v31 =	vsub.f32 v13, v4;
	v30 =	vpop (erf)  }
0x4d: {  	v32 =	vmul.f32 $1.442695020e+00, v28;
	(erf) = vpow2.f32 v5;
	v33 =	vadd.f32 v29, v30  }
0x4e: {  	v36 =	vsub.f32 v14, v4;
	v34 =	vpop (erf)  }
0x4f: {  	v35 =	vmul.f32 $1.442695020e+00, v31;
	(erf) = vpow2.f32 v32;
	v6 =	vadd.f32 v33, v34  }
0x50: {  	v38 =	vsub.f32 v21, v4;
	v37 =	vpop (erf)  }
0x51: {  	v5 =	vmul.f32 $1.442695020e+00, v36;
	(erf) = vpow2.f32 v35;
	v6 =	vadd.f32 v6, v37  }
0x52: {  	v40 =	vsub.f32 v17, v4;
	v39 =	vpop (erf)  }
0x53: {  	v41 =	vmul.f32 $1.442695020e+00, v38;
	(erf) = vpow2.f32 v5;
	v6 =	vadd.f32 v6, v39  }
0x54: {  	v44 =	vsub.f32 v18, v4;
	v42 =	vpop (erf)  }
0x55: {  	v43 =	vmul.f32 $1.442695020e+00, v40;
	(erf) = vpow2.f32 v41;
	v6 =	vadd.f32 v6, v42  }
0x56: {  	v46 =	vsub.f32 v19, v4;
	v45 =	vpop (erf)  }
0x57: {  	v5 =	vmul.f32 $1.442695020e+00, v44;
	(erf) = vpow2.f32 v43;
	v6 =	vadd.f32 v6, v45  }
0x58: {  	v48 =	vsub.f32 v20, v4;
	v47 =	vpop (erf)  }
0x59: {  	v49 =	vmul.f32 $1.442695020e+00, v46;
	(erf) = vpow2.f32 v5;
	v6 =	vadd.f32 v6, v47  }
0x5a: {  	v52 =	vsub.f32 v23, v4;
	v50 =	vpop (erf)  }
0x5b: {  	v51 =	vmul.f32 $1.442695020e+00, v48;
	(erf) = vpow2.f32 v49;
	v6 =	vadd.f32 v6, v50  }
0x5c: {  	v54 =	vsub.f32 v61, v4;
	v53 =	vpop (erf)  }
0x5d: {  	v5 =	vmul.f32 $1.442695020e+00, v52;
	(erf) = vpow2.f32 v51;
	v6 =	vadd.f32 v6, v53  }
0x5e: {  	v55 =	vpop (erf)  }
0x5f: {  	v56 =	vmul.f32 $1.442695020e+00, v54;
	(erf) = vpow2.f32 v5;
	v6 =	vadd.f32 v6, v55  }
0x60: {  	v57 =	vpop (erf)  }
0x61: {  	(erf) = vpow2.f32 v56;
	v58 =	vadd.f32 v6, v57  }
0x62: {  	v24 =	vpop (erf)  }
0x63: {  	v5 =	vadd.f32 v58, v24  }
0x64: {  	v25 =	vpop (erf)  }
0x65: {  	v5 =	vadd.f32 v5, v25  }
0x66: {  	v59 =	vpop (erf)  }
0x67: {  	v5 =	vadd.f32 v5, v59  }
0x68: {  	v60 =	vpop (erf)  }
0x69: {  	v5 =	vadd.f32 v5, v60  }
0x6a: {  	v61 =	vpop (erf)  }
0x6b: {  	v5 =	vadd.f32 v5, v61;
	_ =	sdelay $0x1  }
0x6c: {  	(erf) = vrcp.f32 v5;
	_ =	sdelay $0x3  }
0x6d: {  	v63 =	vld [tilespmem:s19+$0x0];
	_ =	sdelay $0x4  }
0x6e: {  	vm0 =	veq.s32 v63, $0x0;
	vm1 =	veq.s32 v63, $0x1;
	vm3 =	veq.s32 v63, $0x2;
	v62 =	vpop (erf)  }
0x6f: {  	vm13 =	veq.s32 v63, $0x3;
	vm15 =	veq.s32 v63, $0x4;
	v10 =	vmul.f32 $5.120000000e+02, v62  }
0x70: {  	vm5 =	veq.s32 v63, $0x5;
	vm7 =	veq.s32 v63, $0x6;
	vm9 =	veq.s32 v63, $0x7  }
0x71: {  	vm11 =	veq.s32 v63, $0x8;
	v15 =	vmul.f32 v10, v15;
	v11 =	vmul.f32 v10, v11  }
0x72: {  	v27 =	vsel vm0, $0x10001, v2;
	v12 =	vmul.f32 v10, v30;
	v13 =	vmul.f32 v10, v34  }
0x73: {  	v28 =	vsel vm1, $0x10001, v2;
	v14 =	vmul.f32 v10, v37;
	v21 =	vmul.f32 v10, v39  }
0x74: {  	v29 =	vsel vm3, $0x10001, v2;
	v17 =	vmul.f32 v10, v42;
	v18 =	vmul.f32 v10, v45  }
0x75: {  	v30 =	vsel vm13, $0x10001, v2;
	v19 =	vmul.f32 v10, v47;
	v20 =	vmul.f32 v10, v50  }
0x76: {  	v22 =	vmul.f32 v10, v53;
	v26 =	vsub.f32 $5.120000000e+02, v15;
	v31 =	vsub.f32 $5.120000000e+02, v11  }
0x77: {  	v16 =	vmul.f32 v10, v55;
	v32 =	vsub.f32 $5.120000000e+02, v12;
	v33 =	vsub.f32 $5.120000000e+02, v13  }
0x78: {  	v24 =	vmul.f32 v10, v24;
	v34 =	vsub.f32 $5.120000000e+02, v14;
	v35 =	vsub.f32 $5.120000000e+02, v21  }
0x79: {  	v25 =	vmul.f32 v10, v25;
	v36 =	vsub.f32 $5.120000000e+02, v17;
	v37 =	vsub.f32 $5.120000000e+02, v18  }
0x7a: {  	v9 =	vmul.f32 v10, v59;
	v38 =	vsub.f32 $5.120000000e+02, v19;
	v39 =	vsub.f32 $5.120000000e+02, v20  }
0x7b: {  	v7 =	vmul.f32 v10, v60;
	v40 =	vsub.f32 $5.120000000e+02, v22;
	v41 =	vsub.f32 $5.120000000e+02, v16  }
0x7c: {  	v8 =	vmul.f32 v10, v61;
	v42 =	vsub.f32 $5.120000000e+02, v24;
	v44 =	vsub.f32 $5.120000000e+02, v25  }
0x7d: {  	v23 =	vmul.f32 v10, v57;
	v46 =	vsub.f32 $5.120000000e+02, v9;
	v47 =	vsub.f32 $5.120000000e+02, v7  }
0x7e: {  	v48 =	vsub.f32 $5.120000000e+02, v8;
	v15 =	vsel vm0, v26, v15;
	v11 =	vsel vm1, v31, v11  }
0x7f: {  	v12 =	vsel vm3, v32, v12;
	v13 =	vsel vm13, v33, v13;
	v14 =	vsel vm15, v34, v14  }
0x80: {  	v21 =	vsel vm5, v35, v21;
	v31 =	vsel vm15, $0x10001, v2;
	v17 =	vsel vm7, v36, v17  }
0x81: {  	v32 =	vsel vm5, $0x10001, v2;
	v18 =	vsel vm9, v37, v18;
	v33 =	vsel vm7, $0x10001, v2  }
0x82: {  	v19 =	vsel vm11, v38, v19;
	vm13 =	veq.s32 v63, $0x9;
	v15 =	vtrunc.f32 v15  }
0x83: {  	v34 =	vsel vm9, $0x10001, v2;
	v11 =	vtrunc.f32 v11;
	v12 =	vtrunc.f32 v12  }
0x84: {  	v35 =	vsel vm11, $0x10001, v2;
	v13 =	vtrunc.f32 v13;
	v14 =	vtrunc.f32 v14  }
0x85: {  	v36 =	vsub.f32 $5.120000000e+02, v23;
	v21 =	vtrunc.f32 v21;
	v17 =	vtrunc.f32 v17  }
0x86: {  	vm0 =	veq.s32 v63, $0xC;
	v18 =	vtrunc.f32 v18;
	v19 =	vtrunc.f32 v19  }
0x87: {  	vm1 =	veq.s32 v63, $0xD;
	v15 =	vcvt.f32.s32 v15;
	v11 =	vcvt.f32.s32 v11  }
0x88: {  	vm11 =	veq.s32 v63, $0x11;
	v12 =	vcvt.f32.s32 v12;
	v13 =	vcvt.f32.s32 v13  }
0x89: {  	v20 =	vsel vm13, v39, v20;
	v14 =	vcvt.f32.s32 v14;
	v21 =	vcvt.f32.s32 v21  }
0x8a: {  	v24 =	vsel vm1, v42, v24;
	v17 =	vcvt.f32.s32 v17;
	v18 =	vcvt.f32.s32 v18  }
0x8b: {  	v8 =	vsel vm11, v48, v8;
	v19 =	vcvt.f32.s32 v19;
	v20 =	vtrunc.f32 v20  }
0x8c: {  	v23 =	vsel vm0, v36, v23;
	v24 =	vtrunc.f32 v24;
	v8 =	vtrunc.f32 v8  }
0x8d: {  	v43 =	vsel vm13, $0x10001, v2;
	v20 =	vcvt.f32.s32 v20;
	v23 =	vtrunc.f32 v23  }
0x8e: {  	v24 =	vcvt.f32.s32 v24;
	v8 =	vcvt.f32.s32 v8;
	vm2 =	vlt.s32 v15, $0x1FF  }
0x8f: {  	vm12 =	vlt.s32 v11, $0x1FF;
	vm14 =	vlt.s32 v12, $0x1FF;
	vm4 =	vlt.s32 v13, $0x1FF  }
0x90: {  	vm6 =	vlt.s32 v14, $0x1FF;
	vm8 =	vlt.s32 v21, $0x1FF;
	vm10 =	vlt.s32 v17, $0x1FF  }
0x91: {  	v23 =	vcvt.f32.s32 v23;
	v15 =	vnsel vm2, $0x1FF, v15;
	v11 =	vnsel vm12, $0x1FF, v11  }
0x92: {  	v12 =	vnsel vm14, $0x1FF, v12;
	v13 =	vnsel vm4, $0x1FF, v13;
	v14 =	vnsel vm6, $0x1FF, v14  }
0x93: {  	v21 =	vnsel vm8, $0x1FF, v21;
	v17 =	vnsel vm10, $0x1FF, v17;
	vm12 =	vlt.s32 v18, $0x1FF  }
0x94: {  	vm14 =	vlt.s32 v19, $0x1FF;
	vm4 =	veq.s32 v63, $0xA;
	vm15 =	vlt.s32 v20, $0x1FF  }
0x95: {  	vm6 =	veq.s32 v63, $0xB;
	vm2 =	veq.s32 v63, $0xE;
	vm9 =	vlt.s32 v24, $0x1FF  }
0x96: {  	vm10 =	veq.s32 v63, $0xF;
	v11 =	vadd.s32 $0x200, v11;
	v12 =	vadd.s32 $0x400, v12  }
0x97: {  	v13 =	vadd.s32 $0x600, v13;
	v14 =	vadd.s32 $0x800, v14;
	v21 =	vadd.s32 $0xA00, v21  }
0x98: {  	v17 =	vadd.s32 $0xC00, v17;
	v18 =	vnsel vm12, $0x1FF, v18;
	v19 =	vnsel vm14, $0x1FF, v19  }
0x99: {  	v22 =	vsel vm4, v40, v22;
	v20 =	vnsel vm15, $0x1FF, v20;
	v16 =	vsel vm6, v41, v16  }
0x9a: {  	v25 =	vsel vm2, v44, v25;
	v45 =	vsel vm4, $0x10001, v2;
	vm8 =	vlt.s32 v23, $0x1FF  }
0x9b: {  	v9 =	vsel vm10, v46, v9;
	v49 =	vnsel vm9, $0x1FF, v24;
	v54 =	vsel vm6, $0x10001, v2  }
0x9c: {  	v22 =	vtrunc.f32 v22;
	v16 =	vtrunc.f32 v16;
	v23 =	vnsel vm8, $0x1FF, v23;
	[tilespmem:v15+s11+$0x0] =	vst.idx.add.s32.msk $0xffff, v27  }
0x9d: {  	v50 =	vadd.s32 $0xE00, v18;
	v51 =	vadd.s32 $0x1000, v19;
	v22 =	vcvt.f32.s32 v22;
	[tilespmem:v11+s11+$0x0] =	vst.idx.add.s32.msk $0xffff, v28  }
0x9e: {  	v52 =	vadd.s32 $0x1200, v20;
	v55 =	vtrunc.f32 v25;
	v16 =	vcvt.f32.s32 v16;
	[tilespmem:v12+s11+$0x0] =	vst.idx.add.s32.msk $0xffff, v29  }
0x9f: {  	v9 =	vtrunc.f32 v9;
	v18 =	vcvt.f32.s32 v55;
	vm5 =	vlt.s32 v22, $0x1FF;
	[tilespmem:v13+s11+$0x0] =	vst.idx.add.s32.msk $0xffff, v30  }
0xa0: {  	vm7 =	vlt.s32 v16, $0x1FF;
	v22 =	vnsel vm5, $0x1FF, v22;
	vm5 =	veq.s32 v63, $0x10;
	[tilespmem:v14+s11+$0x0] =	vst.idx.add.s32.msk $0xffff, v31  }
0xa1: {  	v16 =	vnsel vm7, $0x1FF, v16;
	v7 =	vsel vm5, v47, v7;
	v53 =	vadd.s32 $0x1400, v22;
	[tilespmem:v21+s11+$0x0] =	vst.idx.add.s32.msk $0xffff, v32  }
0xa2: {  	v9 =	vcvt.f32.s32 v9;
	v16 =	vadd.s32 $0x1600, v16;
	v7 =	vtrunc.f32 v7;
	[tilespmem:v17+s11+$0x0] =	vst.idx.add.s32.msk $0xffff, v33  }
0xa3: {  	v56 =	vadd.s32 $0x1800, v23;
	vm12 =	vlt.s32 v18, $0x1FF;
	v7 =	vcvt.f32.s32 v7;
	[tilespmem:v50+s11+$0x0] =	vst.idx.add.s32.msk $0xffff, v34  }
0xa4: {  	vm13 =	vlt.s32 v9, $0x1FF;
	v11 =	vadd.s32 $0x1A00, v49;
	v57 =	vnsel vm12, $0x1FF, v18;
	[tilespmem:v51+s11+$0x0] =	vst.idx.add.s32.msk $0xffff, v35  }
0xa5: {  	v9 =	vnsel vm13, $0x1FF, v9;
	v10 =	vadd.s32 $0x1C00, v57;
	vm14 =	vlt.s32 v7, $0x1FF;
	[tilespmem:v52+s11+$0x0] =	vst.idx.add.s32.msk $0xffff, v43  }
0xa6: {  	vm15 =	vlt.s32 v8, $0x1FF;
	v9 =	vadd.s32 $0x1E00, v9;
	v7 =	vnsel vm14, $0x1FF, v7;
	[tilespmem:v53+s11+$0x0] =	vst.idx.add.s32.msk $0xffff, v45  }
0xa7: {  	v58 =	vsel vm0, $0x10001, v2;
	v8 =	vnsel vm15, $0x1FF, v8;
	v7 =	vadd.s32 $0x2000, v7;
	[tilespmem:v16+s11+$0x0] =	vst.idx.add.s32.msk $0xffff, v54  }
0xa8: {  	v59 =	vsel vm1, $0x10001, v2;
	v8 =	vadd.s32 $0x2200, v8;
	[tilespmem:v56+s11+$0x0] =	vst.idx.add.s32.msk $0xffff, v58  }
0xa9: {  	v3 =	vadd.s32 v3, v63;
	v60 =	vsel vm2, $0x10001, v2;
	[tilespmem:v11+s11+$0x0] =	vst.idx.add.s32.msk $0xffff, v59  }
0xaa: {  	v61 =	vsel vm10, $0x10001, v2;
	[tilespmem:v10+s11+$0x0] =	vst.idx.add.s32.msk $0xffff, v60  }
0xab: {  	v62 =	vsel vm5, $0x10001, v2;
	[tilespmem:v9+s11+$0x0] =	vst.idx.add.s32.msk $0xffff, v61  }
0xac: {  	v63 =	vsel vm11, $0x10001, v2;
	[tilespmem:v7+s11+$0x0] =	vst.idx.add.s32.msk $0xffff, v62  }
0xad: {  	[tilespmem:v8+s11+$0x0] =	vst.idx.add.s32.msk $0xffff, v63  }
0xae: {  	v3 =	vld.idx.msk [tilespmem:v3+s6+$0x0], $0xffff;
	_ =	sdelay $0x2  }
0xaf: {  	p0 =	sne.s32 s20, $0x8B91  }
.Ltmp1:
0xb0: {  	_ = 	snop;
	(pc) =	sbr.rel @p0 .LBB2_5-.Ltmp1, $3  }
0xb1: {  	v3 =	vsub.f32 v3, v4;
	_ =	sdelay $0x1  }
0xb2: {  	s20 =	sadd.s32 $0x120, s20;
	[tilespmem:s21+$0x0] =	vst v3  }
0xb3: {  	s19 =	sadd.s32 $0x10, s19;
	s21 =	sadd.s32 $0x10, s21;
	[tilespmem:s22+$0x0] =	vst v5;
	s22 =	sadd.s32 $0x10, s22  }
0xb4: {  	s19 =	sadd.s32 s4, s18  }
0xb5: {  	[hbm4b:s19+s6] =	stream.linear.scatter [tilespmem:s12], [sflag:$0x1], $0x7D0, $0x38;
	[tilespmem:$0xC900] =	vst v63  }
0xb6: {  	s17 =	sadd.s32 $0x1, s17;
	_ =	swait.ge [sflag:s10], $0x7D0  }
0xb7: {  	p0 =	sne.s32 s17, $0xA;
	[sflag:s10] =	ssyncset.done $0x0  }
.Ltmp2:
0xb8: {  	s31 =	sadd.s32 s5, s18;
	[sflag:s10] =	ssyncadd.s32 $0xFFFFF830;
	(pc) =	sbr.rel @p0 .LBB2_4-.Ltmp2, $4  }
0xb9: {  	[hbm4b:s31+s6] =	stream.linear.scatter [tilespmem:s13], [sflag:$0x1], $0x7D0, $0x38;
	[tilespmem:$0xC900] =	vst v63  }
0xba: {  	_ =	swait.ge [sflag:s10], $0x7D0  }
0xbb: {  	[sflag:s10] =	ssyncset.done $0x0  }
0xbc: {  	[sflag:s10] =	ssyncadd.s32 $0xFFFFF830  }
0xbd: {  	s16 =	sadd.s32 $0x1, s16  }
0xbe: {  	p0 =	sne.s32 s16, s9  }
.Ltmp3:
0xbf: {  	_ = 	snop;
	(pc) =	sbr.rel @p0 .LBB2_1-.Ltmp3, $4  }
0xc0: {  	[hbm4b:s8+s14] =	stream.strided.scatter [tilespmem:s11], [sflag:$0x1], $0x2400, s15, s14, $0x38;
	[tilespmem:$0xC900] =	vst v63  }
0xc1: {  	_ =	swait.ge [sflag:s10], $0x2400  }
0xc2: {  	[sflag:s10] =	ssyncset.done $0x0  }
0xc3: {  	[sflag:s10] =	ssyncadd.s32 $0xFFFFDC00  }
0xc4: {  	_ =	sfence.sel $0x180000  }
0xc5: {  	[bflag:$0x0] =	sbarrier.arrive $0xFFFF  }
0xc6: {  	p0 =	sne.s32 s1, $0x0;
	_ =	strace $0x90000047  }
0xc7: {  	s0 =	sadd.s32 @!p0 $0x100000, s3;
	[bflag:$0x2] =	sbarrier.arrive $0xFFFF  }
0xc8: {  	[sflag:s0] =	ssyncadd.tile.s32 @!p0 $0x1;
	_ =	shalt  }
.Lfunc_end2:
_tile_overlayer_lowered:
.L_overlay_start_2:
0xc9: {  	(tag) =	ssettag $0x2  }
0xca: {  	s0 =	rddreg [dreg:$0x0];
	s2 =	stileid.u32  }
0xcb: {  	s1 =	rddreg [dreg:$0x1];
	p0 =	sne.s32 s2, $0x0  }
0xcc: {  	s3 =	rddreg [dreg:$0x2];
	[bflag:$0x3] =	sbarrier.arrive $0xFFFF;
	s2 =	simm.s32 @!p0 $0x1C01  }
0xcd: {  	[timem:s3], [sflag:s2] =	dma.local @!p0 [hbm:s0], s1  }
0xce: {  	s0 =	simm.s32 @!p0 $0x1  }
0xcf: {  	_ =	swait.ge @!p0 [sflag:s0], s1  }
0xd0: {  	s1 =	ssub.s32 @!p0 $0x0, s1;
	[sflag:s0] =	ssyncset.done @!p0 $0x0  }
0xd1: {  	[sflag:s0] =	ssyncadd.s32 @!p0 s1  }
0xd2: {  	[bflag:$0x3] =	sbarrier.arrive $0xFFFF  }
0xd3: {  	_ =	shalt  }

</sc_bundles>
